<compile_context>
chip_gen: v7x
topology: tpu7x:2x2x1
jax: 0.10.2.dev20260603
libtpu: 0.0.44.dev20260713+nightly
codegen_flags: <defaults>
</compile_context>

<pallas_src>
import functools

import jax
import jax.numpy as jnp
from jax import lax
from jax.experimental import pallas as pl
from jax.experimental.pallas import tpu as pltpu
from jax.experimental.pallas import tpu_sc as plsc

NUM_EMB = 1000000
EMB_DIM = 16
BATCH = 16384
HIST = 20
THD_NEG = -8.0
THD_POS = 7.0

NC = 2
NS = 16
NW = NC * NS

B_PER_W = BATCH // NW
CB = 64
CHUNKS = B_PER_W // CB
IDX_PER_CHUNK = CB * HIST
IDX_ROWS = IDX_PER_CHUNK // 128
IDX_PER_W = B_PER_W * HIST
ROUND_MAGIC = 12582912.0

SR = 2048
NFULL = NUM_EMB // SR
TAIL = 512
NTAIL64 = 64
NSTRIPES = NFULL + 1
MAX_K = -(-NSTRIPES // NW)


def _tr_body(wt_hbm, wtail_hbm, wd_hbm, buf_v, out_v, sem):
    wid = lax.axis_index("s") * NC + lax.axis_index("c")
    iota16 = lax.iota(jnp.int32, 16)

    @pl.when(wid == NW - 1)
    def _():
        pltpu.sync_copy(wtail_hbm, out_v.at[pl.ds(0, NTAIL64 * EMB_DIM)])
        pltpu.sync_copy(
            out_v.at[pl.ds(0, NTAIL64 * EMB_DIM)],
            wd_hbm.at[pl.ds((NUM_EMB - NTAIL64) * EMB_DIM,
                            NTAIL64 * EMB_DIM)],
        )

    def do_stripe(stripe, n):
        c0 = stripe * SR
        lo = pltpu.async_copy(
            wt_hbm.at[pl.ds(0, 8), pl.ds(c0, n)],
            buf_v.at[pl.ds(0, 8), pl.ds(0, n)],
            sem,
        )
        hi = pltpu.async_copy(
            wt_hbm.at[pl.ds(8, 8), pl.ds(c0, n)],
            buf_v.at[pl.ds(8, 8), pl.ds(0, n)],
            sem,
        )
        lo.wait()
        hi.wait()

        dvecs = [jnp.bitwise_and(iota16 + k, 15) for k in range(16)]

        def block_body(g, cvec):
            pvec = cvec * EMB_DIM
            for k in range(16):
                vals = plsc.load_gather(buf_v, [dvecs[k], cvec])
                plsc.store_scatter(out_v, [pvec + dvecs[k]], vals)
            return cvec + 16

        lax.fori_loop(0, n // 16, block_body, iota16)
        pl.delay(100)
        pltpu.sync_copy(
            out_v.at[pl.ds(0, n * EMB_DIM)],
            wd_hbm.at[pl.ds(c0 * EMB_DIM, n * EMB_DIM)],
        )

    def stripe_body(k, _):
        stripe = wid + k * NW

        @pl.when(stripe < NFULL)
        def _():
            do_stripe(stripe, SR)

        @pl.when(stripe == NFULL)
        def _():
            do_stripe(stripe, TAIL)

        return 0

    lax.fori_loop(0, MAX_K, stripe_body, 0)


def _bag_body(idx_hbm, w_hbm, s_hbm, out_hbm, idx_v, rows_v, out_v, s_v, sem):
    wid = lax.axis_index("s") * NC + lax.axis_index("c")

    pltpu.sync_copy(s_hbm, s_v)
    s_vec = s_v[...]

    pltpu.sync_copy(idx_hbm.at[pl.ds(wid * IDX_PER_W, IDX_PER_W)], idx_v)

    def chunk_body(c, _):
        base_out = (wid * B_PER_W + c * CB) * EMB_DIM

        copies = []
        for j in range(IDX_ROWS):
            copies.append(
                pltpu.async_copy(
                    w_hbm.at[idx_v.at[pl.ds((c * IDX_ROWS + j) * 128, 128)]],
                    rows_v.at[pl.ds(j * 128, 128)],
                    sem,
                )
            )
        for cp in copies:
            cp.wait()

        def bag_body(b, _):
            r0 = b * HIST
            acc = rows_v[r0, :]
            for h in range(1, HIST):
                acc = acc + rows_v[r0 + h, :]
            x = acc / s_vec
            x = jnp.minimum(jnp.maximum(x, THD_NEG), THD_POS)
            x = (x + ROUND_MAGIC) - ROUND_MAGIC
            out_v[pl.ds(b * EMB_DIM, EMB_DIM)] = x * s_vec
            return 0

        lax.fori_loop(0, CB, bag_body, 0)

        pltpu.sync_copy(out_v, out_hbm.at[pl.ds(base_out, CB * EMB_DIM)])
        return 0

    lax.fori_loop(0, CHUNKS, chunk_body, 0)


def kernel(indices, W, s):
    idx1d = indices.reshape(BATCH * HIST)
    s16 = jnp.broadcast_to(s, (16,)).astype(jnp.float32)
    wt = W.T
    wtail = W[NUM_EMB - NTAIL64:, :].reshape(NTAIL64 * EMB_DIM)

    mesh = plsc.VectorSubcoreMesh(core_axis_name="c", subcore_axis_name="s")

    tr = functools.partial(
        pl.kernel,
        mesh=mesh,
        compiler_params=pltpu.CompilerParams(use_tc_tiling_on_sc=True,
                                             needs_layout_passes=False),
        out_type=jax.ShapeDtypeStruct((NUM_EMB * EMB_DIM,), jnp.float32),
        scratch_types=[
            pltpu.VMEM((EMB_DIM, SR), jnp.float32),
            pltpu.VMEM((SR * EMB_DIM,), jnp.float32),
            pltpu.SemaphoreType.DMA,
        ],
    )(_tr_body)
    wd = tr(wt, wtail)
    w2 = wd.reshape(NUM_EMB, EMB_DIM)

    bag = functools.partial(
        pl.kernel,
        mesh=mesh,
        compiler_params=pltpu.CompilerParams(use_tc_tiling_on_sc=False,
                                             needs_layout_passes=False),
        out_type=jax.ShapeDtypeStruct((BATCH * EMB_DIM,), jnp.float32),
        scratch_types=[
            pltpu.VMEM((IDX_PER_W,), jnp.int32),
            pltpu.VMEM((IDX_PER_CHUNK, EMB_DIM), jnp.float32),
            pltpu.VMEM((CB * EMB_DIM,), jnp.float32),
            pltpu.VMEM((16,), jnp.float32),
            pltpu.SemaphoreType.DMA,
        ],
    )(_bag_body)
    out = bag(idx1d, w2, s16)
    return out.reshape(BATCH, EMB_DIM)

# --- scband reference (transcript-rebuilt; emitter-appended) ---
"""Pipeline reference for scband-quant-embedding-bag-lsq-86749749445217 (READ-ONLY COPY).

The authoritative reference and input builder live on the scoring server;
editing this copy changes nothing except your own understanding.
"""

import jax, jax.numpy as jnp
import numpy as np

NUM_EMB = 1000000
EMB_DIM = 16
BATCH = 16384
HIST = 20
THD_NEG = -8.0  # bit=4, signed asymmetric: -2**(4-1)
THD_POS = 7.0   # 2**(4-1) - 1


def setup_inputs(seed: int = 0) -> dict:
    key = jax.random.key(seed)
    k1, k2 = jax.random.split(key)
    indices = jax.random.randint(k1, (BATCH, HIST), 0, NUM_EMB, dtype=jnp.int32)
    lim = float(np.sqrt(1.0 / NUM_EMB))
    W = jax.random.uniform(k2, (NUM_EMB, EMB_DIM), minval=-lim, maxval=lim, dtype=jnp.float32)
    # LsqQuan.init_from(weight), per_channel=False: s = 2*mean(|W|)/sqrt(thd_pos)
    s = (2.0 * jnp.mean(jnp.abs(W)) / np.sqrt(THD_POS)).reshape(1).astype(jnp.float32)
    return {"indices": indices, "W": W, "s": s}


def grad_scale(x, scale):
    # forward identity; backward grad scaled (irrelevant for fwd-only)
    y = x * scale
    return y + jax.lax.stop_gradient(x - y)


def round_pass(x):
    # straight-through round
    return x + jax.lax.stop_gradient(jnp.round(x) - x)


def reference(indices, W, s):
    # nn.EmbeddingBag(mode='sum') with 2D input, offsets=None
    out = jnp.take(W, indices, axis=0).sum(axis=1)  # [B, D]
    # LSQ quantization of the bag output (quan_w_fn applied to output)
    g = 1.0 / np.sqrt(THD_POS * out.size)
    s_scale = grad_scale(s, g)
    x = out / s_scale
    x = jnp.clip(x, THD_NEG, THD_POS)
    x = round_pass(x)
    return x * s_scale

if __name__ == "__main__":
    import jax
    _d = setup_inputs()
    print(jax.jit(kernel)(*tuple(_d.values())))

</pallas_src>

<mosaic_0001>
#map = affine_map<(d0, d1) -> (0, 0)>
#map1 = affine_map<(d0, d1) -> (0)>
module attributes {stable_mosaic.version = 14 : i64} {
  func.func @_tr_body(%arg0: i32, %arg1: i32, %arg2: memref<16x1000000xf32, #tpu.memory_space<hbm>>, %arg3: memref<1024xf32, #tpu.memory_space<hbm>>, %arg4: memref<16000000xf32, #tpu.memory_space<hbm>>, %arg5: memref<16x2048xf32, #tpu.memory_space<vmem>>, %arg6: memref<32768xf32, #tpu.memory_space<vmem>>, %arg7: memref<!tpu.dma_semaphore, #tpu.memory_space<semaphore_mem>>) attributes {dimension_semantics = [#tpu.dimension_semantics<core_parallel>, #tpu.dimension_semantics<subcore_parallel>], iteration_bounds = array<i64: 2, 16>, scalar_prefetch = 0 : i64, scratch_operands = 3 : i64, tpu.core_type = #tpu.core_type<sc_vector_subcore>, window_params = [{transform_indices = #map}, {transform_indices = #map1}, {transform_indices = #map1}]} {
    %mul3A = arith.constant 2 : i32
    %mul3A_0 = arith.muli %arg1, %mul3A : i32
    %add3A = arith.addi %mul3A_0, %arg0 : i32
    %iota3A = tpu.iota {dimensions = array<i32: 0>} : vector<16xi32>
    %eq3A = arith.constant 31 : i32
    %eq3A_1 = arith.cmpi eq, %add3A, %eq3A : i32
    %convert_element_type3A = arith.extui %eq3A_1 : i1 to i32
    %cond3A = arith.constant 0 : i32
    %cond3A_2 = arith.cmpi ne, %convert_element_type3A, %cond3A : i32
    scf.if %cond3A_2 {
      "tpu.region"() ({
        %run_scoped3A = tpu.sem_alloc : memref<!tpu.dma_semaphore, #tpu.memory_space<semaphore_mem>>
        %dma_start3A = arith.constant 0 : i32
        %dma_start3A_9 = tpu.memref_slice %arg6[%dma_start3A] : memref<32768xf32, #tpu.memory_space<vmem>> -> memref<1024xf32, #tpu.memory_space<vmem>>
        %dma_start3A_10 = arith.constant 0 : i32
        %dma_start3A_11 = tpu.memref_slice %arg6[%dma_start3A_10] : memref<32768xf32, #tpu.memory_space<vmem>> -> memref<1024xf32, #tpu.memory_space<vmem>>
        tpu.enqueue_dma source(%arg3 : memref<1024xf32, #tpu.memory_space<hbm>>) target(%dma_start3A_11 : memref<1024xf32, #tpu.memory_space<vmem>>) target_semaphore(%run_scoped3A : memref<!tpu.dma_semaphore, #tpu.memory_space<semaphore_mem>>)
        %dma_wait3A = arith.constant 0 : i32
        %dma_wait3A_12 = tpu.memref_slice %arg6[%dma_wait3A] : memref<32768xf32, #tpu.memory_space<vmem>> -> memref<1024xf32, #tpu.memory_space<vmem>>
        %dma_wait3A_13 = arith.constant 0 : i32
        %dma_wait3A_14 = tpu.memref_slice %arg6[%dma_wait3A_13] : memref<32768xf32, #tpu.memory_space<vmem>> -> memref<1024xf32, #tpu.memory_space<vmem>>
        tpu.wait_dma2 semaphore(%run_scoped3A : memref<!tpu.dma_semaphore, #tpu.memory_space<semaphore_mem>>) src(%arg3 : memref<1024xf32, #tpu.memory_space<hbm>>) dst(%dma_wait3A_14 : memref<1024xf32, #tpu.memory_space<vmem>>)
        tpu.yield
      }) : () -> ()
      "tpu.region"() ({
        %run_scoped3A = tpu.sem_alloc : memref<!tpu.dma_semaphore, #tpu.memory_space<semaphore_mem>>
        %dma_start3A = arith.constant 0 : i32
        %dma_start3A_9 = tpu.memref_slice %arg6[%dma_start3A] : memref<32768xf32, #tpu.memory_space<vmem>> -> memref<1024xf32, #tpu.memory_space<vmem>>
        %dma_start3A_10 = arith.constant 15998976 : i32
        %dma_start3A_11 = tpu.memref_slice %arg4[%dma_start3A_10] : memref<16000000xf32, #tpu.memory_space<hbm>> -> memref<1024xf32, #tpu.memory_space<hbm>>
        %dma_start3A_12 = arith.constant 15998976 : i32
        %dma_start3A_13 = tpu.memref_slice %arg4[%dma_start3A_12] : memref<16000000xf32, #tpu.memory_space<hbm>> -> memref<1024xf32, #tpu.memory_space<hbm>>
        %dma_start3A_14 = arith.constant 0 : i32
        %dma_start3A_15 = tpu.memref_slice %arg6[%dma_start3A_14] : memref<32768xf32, #tpu.memory_space<vmem>> -> memref<1024xf32, #tpu.memory_space<vmem>>
        tpu.enqueue_dma source(%dma_start3A_15 : memref<1024xf32, #tpu.memory_space<vmem>>) target(%dma_start3A_13 : memref<1024xf32, #tpu.memory_space<hbm>>) target_semaphore(%run_scoped3A : memref<!tpu.dma_semaphore, #tpu.memory_space<semaphore_mem>>)
        %dma_wait3A = arith.constant 0 : i32
        %dma_wait3A_16 = tpu.memref_slice %arg6[%dma_wait3A] : memref<32768xf32, #tpu.memory_space<vmem>> -> memref<1024xf32, #tpu.memory_space<vmem>>
        %dma_wait3A_17 = arith.constant 15998976 : i32
        %dma_wait3A_18 = tpu.memref_slice %arg4[%dma_wait3A_17] : memref<16000000xf32, #tpu.memory_space<hbm>> -> memref<1024xf32, #tpu.memory_space<hbm>>
        %dma_wait3A_19 = arith.constant 15998976 : i32
        %dma_wait3A_20 = tpu.memref_slice %arg4[%dma_wait3A_19] : memref<16000000xf32, #tpu.memory_space<hbm>> -> memref<1024xf32, #tpu.memory_space<hbm>>
        %dma_wait3A_21 = arith.constant 0 : i32
        %dma_wait3A_22 = tpu.memref_slice %arg6[%dma_wait3A_21] : memref<32768xf32, #tpu.memory_space<vmem>> -> memref<1024xf32, #tpu.memory_space<vmem>>
        tpu.wait_dma2 semaphore(%run_scoped3A : memref<!tpu.dma_semaphore, #tpu.memory_space<semaphore_mem>>) src(%dma_wait3A_22 : memref<1024xf32, #tpu.memory_space<vmem>>) dst(%dma_wait3A_20 : memref<1024xf32, #tpu.memory_space<hbm>>)
        tpu.yield
      }) : () -> ()
    } else {
    }
    %scan3A = arith.constant 0 : i32
    %scan3A_3 = arith.constant 0 : i32
    %scan3A_4 = arith.constant 16 : i32
    %scan3A_5 = arith.addi %scan3A_3, %scan3A_4 : i32
    %scan3A_6 = arith.constant 1 : i32
    %scan3A_7 = scf.for %scan3A_9 = %scan3A_3 to %scan3A_5 step %scan3A_6 iter_args(%scan3A_10 = %scan3A) -> (i32)  : i32 {
      %mul3A_11 = arith.constant 32 : i32
      %mul3A_12 = arith.muli %scan3A_9, %mul3A_11 : i32
      %add3A_13 = arith.addi %add3A, %mul3A_12 : i32
      %lt3A = arith.constant 488 : i32
      %lt3A_14 = arith.cmpi slt, %add3A_13, %lt3A : i32
      %convert_element_type3A_15 = arith.extui %lt3A_14 : i1 to i32
      %cond3A_16 = arith.constant 0 : i32
      %cond3A_17 = arith.cmpi ne, %convert_element_type3A_15, %cond3A_16 : i32
      scf.if %cond3A_17 {
        %mul3A_24 = arith.constant 2048 : i32
        %mul3A_25 = arith.muli %add3A_13, %mul3A_24 : i32
        %dma_start3A = arith.constant 0 : i32
        %dma_start3A_26 = arith.constant 0 : i32
        %dma_start3A_27 = tpu.memref_slice %arg5[%dma_start3A, %dma_start3A_26] : memref<16x2048xf32, #tpu.memory_space<vmem>> -> memref<8x2048xf32, #tpu.memory_space<vmem>>
        %dma_start3A_28 = arith.constant 0 : i32
        %dma_start3A_29 = tpu.memref_slice %arg2[%dma_start3A_28, %mul3A_25] : memref<16x1000000xf32, #tpu.memory_space<hbm>> -> memref<8x2048xf32, #tpu.memory_space<hbm>>
        %dma_start3A_30 = arith.constant 0 : i32
        %dma_start3A_31 = arith.constant 0 : i32
        %dma_start3A_32 = tpu.memref_slice %arg5[%dma_start3A_30, %dma_start3A_31] : memref<16x2048xf32, #tpu.memory_space<vmem>> -> memref<8x2048xf32, #tpu.memory_space<vmem>>
        %dma_start3A_33 = arith.constant 0 : i32
        %dma_start3A_34 = tpu.memref_slice %arg2[%dma_start3A_33, %mul3A_25] : memref<16x1000000xf32, #tpu.memory_space<hbm>> -> memref<8x2048xf32, #tpu.memory_space<hbm>>
        tpu.enqueue_dma source(%dma_start3A_34 : memref<8x2048xf32, #tpu.memory_space<hbm>>) target(%dma_start3A_32 : memref<8x2048xf32, #tpu.memory_space<vmem>>) target_semaphore(%arg7 : memref<!tpu.dma_semaphore, #tpu.memory_space<semaphore_mem>>)
        %dma_start3A_35 = arith.constant 8 : i32
        %dma_start3A_36 = arith.constant 0 : i32
        %dma_start3A_37 = tpu.memref_slice %arg5[%dma_start3A_35, %dma_start3A_36] : memref<16x2048xf32, #tpu.memory_space<vmem>> -> memref<8x2048xf32, #tpu.memory_space<vmem>>
        %dma_start3A_38 = arith.constant 8 : i32
        %dma_start3A_39 = tpu.memref_slice %arg2[%dma_start3A_38, %mul3A_25] : memref<16x1000000xf32, #tpu.memory_space<hbm>> -> memref<8x2048xf32, #tpu.memory_space<hbm>>
        %dma_start3A_40 = arith.constant 8 : i32
        %dma_start3A_41 = arith.constant 0 : i32
        %dma_start3A_42 = tpu.memref_slice %arg5[%dma_start3A_40, %dma_start3A_41] : memref<16x2048xf32, #tpu.memory_space<vmem>> -> memref<8x2048xf32, #tpu.memory_space<vmem>>
        %dma_start3A_43 = arith.constant 8 : i32
        %dma_start3A_44 = tpu.memref_slice %arg2[%dma_start3A_43, %mul3A_25] : memref<16x1000000xf32, #tpu.memory_space<hbm>> -> memref<8x2048xf32, #tpu.memory_space<hbm>>
        tpu.enqueue_dma source(%dma_start3A_44 : memref<8x2048xf32, #tpu.memory_space<hbm>>) target(%dma_start3A_42 : memref<8x2048xf32, #tpu.memory_space<vmem>>) target_semaphore(%arg7 : memref<!tpu.dma_semaphore, #tpu.memory_space<semaphore_mem>>)
        %dma_wait3A = arith.constant 0 : i32
        %dma_wait3A_45 = arith.constant 0 : i32
        %dma_wait3A_46 = tpu.memref_slice %arg5[%dma_wait3A, %dma_wait3A_45] : memref<16x2048xf32, #tpu.memory_space<vmem>> -> memref<8x2048xf32, #tpu.memory_space<vmem>>
        %dma_wait3A_47 = arith.constant 0 : i32
        %dma_wait3A_48 = tpu.memref_slice %arg2[%dma_wait3A_47, %mul3A_25] : memref<16x1000000xf32, #tpu.memory_space<hbm>> -> memref<8x2048xf32, #tpu.memory_space<hbm>>
        %dma_wait3A_49 = arith.constant 0 : i32
        %dma_wait3A_50 = arith.constant 0 : i32
        %dma_wait3A_51 = tpu.memref_slice %arg5[%dma_wait3A_49, %dma_wait3A_50] : memref<16x2048xf32, #tpu.memory_space<vmem>> -> memref<8x2048xf32, #tpu.memory_space<vmem>>
        %dma_wait3A_52 = arith.constant 0 : i32
        %dma_wait3A_53 = tpu.memref_slice %arg2[%dma_wait3A_52, %mul3A_25] : memref<16x1000000xf32, #tpu.memory_space<hbm>> -> memref<8x2048xf32, #tpu.memory_space<hbm>>
        tpu.wait_dma2 semaphore(%arg7 : memref<!tpu.dma_semaphore, #tpu.memory_space<semaphore_mem>>) src(%dma_wait3A_53 : memref<8x2048xf32, #tpu.memory_space<hbm>>) dst(%dma_wait3A_51 : memref<8x2048xf32, #tpu.memory_space<vmem>>)
        %dma_wait3A_54 = arith.constant 8 : i32
        %dma_wait3A_55 = arith.constant 0 : i32
        %dma_wait3A_56 = tpu.memref_slice %arg5[%dma_wait3A_54, %dma_wait3A_55] : memref<16x2048xf32, #tpu.memory_space<vmem>> -> memref<8x2048xf32, #tpu.memory_space<vmem>>
        %dma_wait3A_57 = arith.constant 8 : i32
        %dma_wait3A_58 = tpu.memref_slice %arg2[%dma_wait3A_57, %mul3A_25] : memref<16x1000000xf32, #tpu.memory_space<hbm>> -> memref<8x2048xf32, #tpu.memory_space<hbm>>
        %dma_wait3A_59 = arith.constant 8 : i32
        %dma_wait3A_60 = arith.constant 0 : i32
        %dma_wait3A_61 = tpu.memref_slice %arg5[%dma_wait3A_59, %dma_wait3A_60] : memref<16x2048xf32, #tpu.memory_space<vmem>> -> memref<8x2048xf32, #tpu.memory_space<vmem>>
        %dma_wait3A_62 = arith.constant 8 : i32
        %dma_wait3A_63 = tpu.memref_slice %arg2[%dma_wait3A_62, %mul3A_25] : memref<16x1000000xf32, #tpu.memory_space<hbm>> -> memref<8x2048xf32, #tpu.memory_space<hbm>>
        tpu.wait_dma2 semaphore(%arg7 : memref<!tpu.dma_semaphore, #tpu.memory_space<semaphore_mem>>) src(%dma_wait3A_63 : memref<8x2048xf32, #tpu.memory_space<hbm>>) dst(%dma_wait3A_61 : memref<8x2048xf32, #tpu.memory_space<vmem>>)
        %add3A_64 = arith.constant 0 : i32
        %add3A_65 = vector.broadcast %add3A_64 : i32 to vector<16xi32>
        %add3A_66 = arith.addi %iota3A, %add3A_65 : vector<16xi32>
        %and3A = arith.constant 15 : i32
        %and3A_67 = vector.broadcast %and3A : i32 to vector<16xi32>
        %and3A_68 = arith.andi %add3A_66, %and3A_67 : vector<16xi32>
        %add3A_69 = arith.constant 1 : i32
        %add3A_70 = vector.broadcast %add3A_69 : i32 to vector<16xi32>
        %add3A_71 = arith.addi %iota3A, %add3A_70 : vector<16xi32>
        %and3A_72 = arith.constant 15 : i32
        %and3A_73 = vector.broadcast %and3A_72 : i32 to vector<16xi32>
        %and3A_74 = arith.andi %add3A_71, %and3A_73 : vector<16xi32>
        %add3A_75 = arith.constant 2 : i32
        %add3A_76 = vector.broadcast %add3A_75 : i32 to vector<16xi32>
        %add3A_77 = arith.addi %iota3A, %add3A_76 : vector<16xi32>
        %and3A_78 = arith.constant 15 : i32
        %and3A_79 = vector.broadcast %and3A_78 : i32 to vector<16xi32>
        %and3A_80 = arith.andi %add3A_77, %and3A_79 : vector<16xi32>
        %add3A_81 = arith.constant 3 : i32
        %add3A_82 = vector.broadcast %add3A_81 : i32 to vector<16xi32>
        %add3A_83 = arith.addi %iota3A, %add3A_82 : vector<16xi32>
        %and3A_84 = arith.constant 15 : i32
        %and3A_85 = vector.broadcast %and3A_84 : i32 to vector<16xi32>
        %and3A_86 = arith.andi %add3A_83, %and3A_85 : vector<16xi32>
        %add3A_87 = arith.constant 4 : i32
        %add3A_88 = vector.broadcast %add3A_87 : i32 to vector<16xi32>
        %add3A_89 = arith.addi %iota3A, %add3A_88 : vector<16xi32>
        %and3A_90 = arith.constant 15 : i32
        %and3A_91 = vector.broadcast %and3A_90 : i32 to vector<16xi32>
        %and3A_92 = arith.andi %add3A_89, %and3A_91 : vector<16xi32>
        %add3A_93 = arith.constant 5 : i32
        %add3A_94 = vector.broadcast %add3A_93 : i32 to vector<16xi32>
        %add3A_95 = arith.addi %iota3A, %add3A_94 : vector<16xi32>
        %and3A_96 = arith.constant 15 : i32
        %and3A_97 = vector.broadcast %and3A_96 : i32 to vector<16xi32>
        %and3A_98 = arith.andi %add3A_95, %and3A_97 : vector<16xi32>
        %add3A_99 = arith.constant 6 : i32
        %add3A_100 = vector.broadcast %add3A_99 : i32 to vector<16xi32>
        %add3A_101 = arith.addi %iota3A, %add3A_100 : vector<16xi32>
        %and3A_102 = arith.constant 15 : i32
        %and3A_103 = vector.broadcast %and3A_102 : i32 to vector<16xi32>
        %and3A_104 = arith.andi %add3A_101, %and3A_103 : vector<16xi32>
        %add3A_105 = arith.constant 7 : i32
        %add3A_106 = vector.broadcast %add3A_105 : i32 to vector<16xi32>
        %add3A_107 = arith.addi %iota3A, %add3A_106 : vector<16xi32>
        %and3A_108 = arith.constant 15 : i32
        %and3A_109 = vector.broadcast %and3A_108 : i32 to vector<16xi32>
        %and3A_110 = arith.andi %add3A_107, %and3A_109 : vector<16xi32>
        %add3A_111 = arith.constant 8 : i32
        %add3A_112 = vector.broadcast %add3A_111 : i32 to vector<16xi32>
        %add3A_113 = arith.addi %iota3A, %add3A_112 : vector<16xi32>
        %and3A_114 = arith.constant 15 : i32
        %and3A_115 = vector.broadcast %and3A_114 : i32 to vector<16xi32>
        %and3A_116 = arith.andi %add3A_113, %and3A_115 : vector<16xi32>
        %add3A_117 = arith.constant 9 : i32
        %add3A_118 = vector.broadcast %add3A_117 : i32 to vector<16xi32>
        %add3A_119 = arith.addi %iota3A, %add3A_118 : vector<16xi32>
        %and3A_120 = arith.constant 15 : i32
        %and3A_121 = vector.broadcast %and3A_120 : i32 to vector<16xi32>
        %and3A_122 = arith.andi %add3A_119, %and3A_121 : vector<16xi32>
        %add3A_123 = arith.constant 10 : i32
        %add3A_124 = vector.broadcast %add3A_123 : i32 to vector<16xi32>
        %add3A_125 = arith.addi %iota3A, %add3A_124 : vector<16xi32>
        %and3A_126 = arith.constant 15 : i32
        %and3A_127 = vector.broadcast %and3A_126 : i32 to vector<16xi32>
        %and3A_128 = arith.andi %add3A_125, %and3A_127 : vector<16xi32>
        %add3A_129 = arith.constant 11 : i32
        %add3A_130 = vector.broadcast %add3A_129 : i32 to vector<16xi32>
        %add3A_131 = arith.addi %iota3A, %add3A_130 : vector<16xi32>
        %and3A_132 = arith.constant 15 : i32
        %and3A_133 = vector.broadcast %and3A_132 : i32 to vector<16xi32>
        %and3A_134 = arith.andi %add3A_131, %and3A_133 : vector<16xi32>
        %add3A_135 = arith.constant 12 : i32
        %add3A_136 = vector.broadcast %add3A_135 : i32 to vector<16xi32>
        %add3A_137 = arith.addi %iota3A, %add3A_136 : vector<16xi32>
        %and3A_138 = arith.constant 15 : i32
        %and3A_139 = vector.broadcast %and3A_138 : i32 to vector<16xi32>
        %and3A_140 = arith.andi %add3A_137, %and3A_139 : vector<16xi32>
        %add3A_141 = arith.constant 13 : i32
        %add3A_142 = vector.broadcast %add3A_141 : i32 to vector<16xi32>
        %add3A_143 = arith.addi %iota3A, %add3A_142 : vector<16xi32>
        %and3A_144 = arith.constant 15 : i32
        %and3A_145 = vector.broadcast %and3A_144 : i32 to vector<16xi32>
        %and3A_146 = arith.andi %add3A_143, %and3A_145 : vector<16xi32>
        %add3A_147 = arith.constant 14 : i32
        %add3A_148 = vector.broadcast %add3A_147 : i32 to vector<16xi32>
        %add3A_149 = arith.addi %iota3A, %add3A_148 : vector<16xi32>
        %and3A_150 = arith.constant 15 : i32
        %and3A_151 = vector.broadcast %and3A_150 : i32 to vector<16xi32>
        %and3A_152 = arith.andi %add3A_149, %and3A_151 : vector<16xi32>
        %add3A_153 = arith.constant 15 : i32
        %add3A_154 = vector.broadcast %add3A_153 : i32 to vector<16xi32>
        %add3A_155 = arith.addi %iota3A, %add3A_154 : vector<16xi32>
        %and3A_156 = arith.constant 15 : i32
        %and3A_157 = vector.broadcast %and3A_156 : i32 to vector<16xi32>
        %and3A_158 = arith.andi %add3A_155, %and3A_157 : vector<16xi32>
        %scan3A_159 = arith.constant 0 : i32
        %scan3A_160 = arith.constant 128 : i32
        %scan3A_161 = arith.addi %scan3A_159, %scan3A_160 : i32
        %scan3A_162 = arith.constant 1 : i32
        %scan3A_163 = scf.for %scan3A_167 = %scan3A_159 to %scan3A_161 step %scan3A_162 iter_args(%scan3A_168 = %iota3A) -> (vector<16xi32>)  : i32 {
          %mul3A_169 = arith.constant 16 : i32
          %mul3A_170 = vector.broadcast %mul3A_169 : i32 to vector<16xi32>
          %mul3A_171 = arith.muli %scan3A_168, %mul3A_170 : vector<16xi32>
          %gather3A = tpu.vector_load_idx %arg5[%and3A_68, %scan3A_168] : memref<16x2048xf32, #tpu.memory_space<vmem>>[vector<16xi32>, vector<16xi32>], vector<16xf32>,
          %add3A_172 = arith.addi %mul3A_171, %and3A_68 : vector<16xi32>
          tpu.vector_store_idx %arg6[%add3A_172], %gather3A : memref<32768xf32, #tpu.memory_space<vmem>>[vector<16xi32>], vector<16xf32>,
          %gather3A_173 = tpu.vector_load_idx %arg5[%and3A_74, %scan3A_168] : memref<16x2048xf32, #tpu.memory_space<vmem>>[vector<16xi32>, vector<16xi32>], vector<16xf32>,
          %add3A_174 = arith.addi %mul3A_171, %and3A_74 : vector<16xi32>
          tpu.vector_store_idx %arg6[%add3A_174], %gather3A_173 : memref<32768xf32, #tpu.memory_space<vmem>>[vector<16xi32>], vector<16xf32>,
          %gather3A_175 = tpu.vector_load_idx %arg5[%and3A_80, %scan3A_168] : memref<16x2048xf32, #tpu.memory_space<vmem>>[vector<16xi32>, vector<16xi32>], vector<16xf32>,
          %add3A_176 = arith.addi %mul3A_171, %and3A_80 : vector<16xi32>
          tpu.vector_store_idx %arg6[%add3A_176], %gather3A_175 : memref<32768xf32, #tpu.memory_space<vmem>>[vector<16xi32>], vector<16xf32>,
          %gather3A_177 = tpu.vector_load_idx %arg5[%and3A_86, %scan3A_168] : memref<16x2048xf32, #tpu.memory_space<vmem>>[vector<16xi32>, vector<16xi32>], vector<16xf32>,
          %add3A_178 = arith.addi %mul3A_171, %and3A_86 : vector<16xi32>
          tpu.vector_store_idx %arg6[%add3A_178], %gather3A_177 : memref<32768xf32, #tpu.memory_space<vmem>>[vector<16xi32>], vector<16xf32>,
          %gather3A_179 = tpu.vector_load_idx %arg5[%and3A_92, %scan3A_168] : memref<16x2048xf32, #tpu.memory_space<vmem>>[vector<16xi32>, vector<16xi32>], vector<16xf32>,
          %add3A_180 = arith.addi %mul3A_171, %and3A_92 : vector<16xi32>
          tpu.vector_store_idx %arg6[%add3A_180], %gather3A_179 : memref<32768xf32, #tpu.memory_space<vmem>>[vector<16xi32>], vector<16xf32>,
          %gather3A_181 = tpu.vector_load_idx %arg5[%and3A_98, %scan3A_168] : memref<16x2048xf32, #tpu.memory_space<vmem>>[vector<16xi32>, vector<16xi32>], vector<16xf32>,
          %add3A_182 = arith.addi %mul3A_171, %and3A_98 : vector<16xi32>
          tpu.vector_store_idx %arg6[%add3A_182], %gather3A_181 : memref<32768xf32, #tpu.memory_space<vmem>>[vector<16xi32>], vector<16xf32>,
          %gather3A_183 = tpu.vector_load_idx %arg5[%and3A_104, %scan3A_168] : memref<16x2048xf32, #tpu.memory_space<vmem>>[vector<16xi32>, vector<16xi32>], vector<16xf32>,
          %add3A_184 = arith.addi %mul3A_171, %and3A_104 : vector<16xi32>
          tpu.vector_store_idx %arg6[%add3A_184], %gather3A_183 : memref<32768xf32, #tpu.memory_space<vmem>>[vector<16xi32>], vector<16xf32>,
          %gather3A_185 = tpu.vector_load_idx %arg5[%and3A_110, %scan3A_168] : memref<16x2048xf32, #tpu.memory_space<vmem>>[vector<16xi32>, vector<16xi32>], vector<16xf32>,
          %add3A_186 = arith.addi %mul3A_171, %and3A_110 : vector<16xi32>
          tpu.vector_store_idx %arg6[%add3A_186], %gather3A_185 : memref<32768xf32, #tpu.memory_space<vmem>>[vector<16xi32>], vector<16xf32>,
          %gather3A_187 = tpu.vector_load_idx %arg5[%and3A_116, %scan3A_168] : memref<16x2048xf32, #tpu.memory_space<vmem>>[vector<16xi32>, vector<16xi32>], vector<16xf32>,
          %add3A_188 = arith.addi %mul3A_171, %and3A_116 : vector<16xi32>
          tpu.vector_store_idx %arg6[%add3A_188], %gather3A_187 : memref<32768xf32, #tpu.memory_space<vmem>>[vector<16xi32>], vector<16xf32>,
          %gather3A_189 = tpu.vector_load_idx %arg5[%and3A_122, %scan3A_168] : memref<16x2048xf32, #tpu.memory_space<vmem>>[vector<16xi32>, vector<16xi32>], vector<16xf32>,
          %add3A_190 = arith.addi %mul3A_171, %and3A_122 : vector<16xi32>
          tpu.vector_store_idx %arg6[%add3A_190], %gather3A_189 : memref<32768xf32, #tpu.memory_space<vmem>>[vector<16xi32>], vector<16xf32>,
          %gather3A_191 = tpu.vector_load_idx %arg5[%and3A_128, %scan3A_168] : memref<16x2048xf32, #tpu.memory_space<vmem>>[vector<16xi32>, vector<16xi32>], vector<16xf32>,
          %add3A_192 = arith.addi %mul3A_171, %and3A_128 : vector<16xi32>
          tpu.vector_store_idx %arg6[%add3A_192], %gather3A_191 : memref<32768xf32, #tpu.memory_space<vmem>>[vector<16xi32>], vector<16xf32>,
          %gather3A_193 = tpu.vector_load_idx %arg5[%and3A_134, %scan3A_168] : memref<16x2048xf32, #tpu.memory_space<vmem>>[vector<16xi32>, vector<16xi32>], vector<16xf32>,
          %add3A_194 = arith.addi %mul3A_171, %and3A_134 : vector<16xi32>
          tpu.vector_store_idx %arg6[%add3A_194], %gather3A_193 : memref<32768xf32, #tpu.memory_space<vmem>>[vector<16xi32>], vector<16xf32>,
          %gather3A_195 = tpu.vector_load_idx %arg5[%and3A_140, %scan3A_168] : memref<16x2048xf32, #tpu.memory_space<vmem>>[vector<16xi32>, vector<16xi32>], vector<16xf32>,
          %add3A_196 = arith.addi %mul3A_171, %and3A_140 : vector<16xi32>
          tpu.vector_store_idx %arg6[%add3A_196], %gather3A_195 : memref<32768xf32, #tpu.memory_space<vmem>>[vector<16xi32>], vector<16xf32>,
          %gather3A_197 = tpu.vector_load_idx %arg5[%and3A_146, %scan3A_168] : memref<16x2048xf32, #tpu.memory_space<vmem>>[vector<16xi32>, vector<16xi32>], vector<16xf32>,
          %add3A_198 = arith.addi %mul3A_171, %and3A_146 : vector<16xi32>
          tpu.vector_store_idx %arg6[%add3A_198], %gather3A_197 : memref<32768xf32, #tpu.memory_space<vmem>>[vector<16xi32>], vector<16xf32>,
          %gather3A_199 = tpu.vector_load_idx %arg5[%and3A_152, %scan3A_168] : memref<16x2048xf32, #tpu.memory_space<vmem>>[vector<16xi32>, vector<16xi32>], vector<16xf32>,
          %add3A_200 = arith.addi %mul3A_171, %and3A_152 : vector<16xi32>
          tpu.vector_store_idx %arg6[%add3A_200], %gather3A_199 : memref<32768xf32, #tpu.memory_space<vmem>>[vector<16xi32>], vector<16xf32>,
          %gather3A_201 = tpu.vector_load_idx %arg5[%and3A_158, %scan3A_168] : memref<16x2048xf32, #tpu.memory_space<vmem>>[vector<16xi32>, vector<16xi32>], vector<16xf32>,
          %add3A_202 = arith.addi %mul3A_171, %and3A_158 : vector<16xi32>
          tpu.vector_store_idx %arg6[%add3A_202], %gather3A_201 : memref<32768xf32, #tpu.memory_space<vmem>>[vector<16xi32>], vector<16xf32>,
          %add3A_203 = arith.constant 16 : i32
          %add3A_204 = vector.broadcast %add3A_203 : i32 to vector<16xi32>
          %add3A_205 = arith.addi %scan3A_168, %add3A_204 : vector<16xi32>
          scf.yield %add3A_205 : vector<16xi32>
        }
        %scan3A_164 = arith.constant 128 : i32
        %delay3A = arith.constant 100 : i32
        tpu.delay %delay3A
        %mul3A_165 = arith.constant 16 : i32
        %mul3A_166 = arith.muli %mul3A_25, %mul3A_165 : i32
        "tpu.region"() ({
          %run_scoped3A = tpu.sem_alloc : memref<!tpu.dma_semaphore, #tpu.memory_space<semaphore_mem>>
          %dma_start3A_167 = arith.constant 0 : i32
          %dma_start3A_168 = tpu.memref_slice %arg6[%dma_start3A_167] : memref<32768xf32, #tpu.memory_space<vmem>> -> memref<32768xf32, #tpu.memory_space<vmem>>
          %dma_start3A_169 = tpu.memref_slice %arg4[%mul3A_166] : memref<16000000xf32, #tpu.memory_space<hbm>> -> memref<32768xf32, #tpu.memory_space<hbm>>
          %dma_start3A_170 = tpu.memref_slice %arg4[%mul3A_166] : memref<16000000xf32, #tpu.memory_space<hbm>> -> memref<32768xf32, #tpu.memory_space<hbm>>
          %dma_start3A_171 = arith.constant 0 : i32
          %dma_start3A_172 = tpu.memref_slice %arg6[%dma_start3A_171] : memref<32768xf32, #tpu.memory_space<vmem>> -> memref<32768xf32, #tpu.memory_space<vmem>>
          tpu.enqueue_dma source(%dma_start3A_172 : memref<32768xf32, #tpu.memory_space<vmem>>) target(%dma_start3A_170 : memref<32768xf32, #tpu.memory_space<hbm>>) target_semaphore(%run_scoped3A : memref<!tpu.dma_semaphore, #tpu.memory_space<semaphore_mem>>)
          %dma_wait3A_173 = arith.constant 0 : i32
          %dma_wait3A_174 = tpu.memref_slice %arg6[%dma_wait3A_173] : memref<32768xf32, #tpu.memory_space<vmem>> -> memref<32768xf32, #tpu.memory_space<vmem>>
          %dma_wait3A_175 = tpu.memref_slice %arg4[%mul3A_166] : memref<16000000xf32, #tpu.memory_space<hbm>> -> memref<32768xf32, #tpu.memory_space<hbm>>
          %dma_wait3A_176 = tpu.memref_slice %arg4[%mul3A_166] : memref<16000000xf32, #tpu.memory_space<hbm>> -> memref<32768xf32, #tpu.memory_space<hbm>>
          %dma_wait3A_177 = arith.constant 0 : i32
          %dma_wait3A_178 = tpu.memref_slice %arg6[%dma_wait3A_177] : memref<32768xf32, #tpu.memory_space<vmem>> -> memref<32768xf32, #tpu.memory_space<vmem>>
          tpu.wait_dma2 semaphore(%run_scoped3A : memref<!tpu.dma_semaphore, #tpu.memory_space<semaphore_mem>>) src(%dma_wait3A_178 : memref<32768xf32, #tpu.memory_space<vmem>>) dst(%dma_wait3A_176 : memref<32768xf32, #tpu.memory_space<hbm>>)
          tpu.yield
        }) : () -> ()
      } else {
      }
      %eq3A_18 = arith.constant 488 : i32
      %eq3A_19 = arith.cmpi eq, %add3A_13, %eq3A_18 : i32
      %convert_element_type3A_20 = arith.extui %eq3A_19 : i1 to i32
      %cond3A_21 = arith.constant 0 : i32
      %cond3A_22 = arith.cmpi ne, %convert_element_type3A_20, %cond3A_21 : i32
      scf.if %cond3A_22 {
        %mul3A_24 = arith.constant 2048 : i32
        %mul3A_25 = arith.muli %add3A_13, %mul3A_24 : i32
        %dma_start3A = arith.constant 0 : i32
        %dma_start3A_26 = arith.constant 0 : i32
        %dma_start3A_27 = tpu.memref_slice %arg5[%dma_start3A, %dma_start3A_26] : memref<16x2048xf32, #tpu.memory_space<vmem>> -> memref<8x512xf32, #tpu.memory_space<vmem>>
        %dma_start3A_28 = arith.constant 0 : i32
        %dma_start3A_29 = tpu.memref_slice %arg2[%dma_start3A_28, %mul3A_25] : memref<16x1000000xf32, #tpu.memory_space<hbm>> -> memref<8x512xf32, #tpu.memory_space<hbm>>
        %dma_start3A_30 = arith.constant 0 : i32
        %dma_start3A_31 = arith.constant 0 : i32
        %dma_start3A_32 = tpu.memref_slice %arg5[%dma_start3A_30, %dma_start3A_31] : memref<16x2048xf32, #tpu.memory_space<vmem>> -> memref<8x512xf32, #tpu.memory_space<vmem>>
        %dma_start3A_33 = arith.constant 0 : i32
        %dma_start3A_34 = tpu.memref_slice %arg2[%dma_start3A_33, %mul3A_25] : memref<16x1000000xf32, #tpu.memory_space<hbm>> -> memref<8x512xf32, #tpu.memory_space<hbm>>
        tpu.enqueue_dma source(%dma_start3A_34 : memref<8x512xf32, #tpu.memory_space<hbm>>) target(%dma_start3A_32 : memref<8x512xf32, #tpu.memory_space<vmem>>) target_semaphore(%arg7 : memref<!tpu.dma_semaphore, #tpu.memory_space<semaphore_mem>>)
        %dma_start3A_35 = arith.constant 8 : i32
        %dma_start3A_36 = arith.constant 0 : i32
        %dma_start3A_37 = tpu.memref_slice %arg5[%dma_start3A_35, %dma_start3A_36] : memref<16x2048xf32, #tpu.memory_space<vmem>> -> memref<8x512xf32, #tpu.memory_space<vmem>>
        %dma_start3A_38 = arith.constant 8 : i32
        %dma_start3A_39 = tpu.memref_slice %arg2[%dma_start3A_38, %mul3A_25] : memref<16x1000000xf32, #tpu.memory_space<hbm>> -> memref<8x512xf32, #tpu.memory_space<hbm>>
        %dma_start3A_40 = arith.constant 8 : i32
        %dma_start3A_41 = arith.constant 0 : i32
        %dma_start3A_42 = tpu.memref_slice %arg5[%dma_start3A_40, %dma_start3A_41] : memref<16x2048xf32, #tpu.memory_space<vmem>> -> memref<8x512xf32, #tpu.memory_space<vmem>>
        %dma_start3A_43 = arith.constant 8 : i32
        %dma_start3A_44 = tpu.memref_slice %arg2[%dma_start3A_43, %mul3A_25] : memref<16x1000000xf32, #tpu.memory_space<hbm>> -> memref<8x512xf32, #tpu.memory_space<hbm>>
        tpu.enqueue_dma source(%dma_start3A_44 : memref<8x512xf32, #tpu.memory_space<hbm>>) target(%dma_start3A_42 : memref<8x512xf32, #tpu.memory_space<vmem>>) target_semaphore(%arg7 : memref<!tpu.dma_semaphore, #tpu.memory_space<semaphore_mem>>)
        %dma_wait3A = arith.constant 0 : i32
        %dma_wait3A_45 = arith.constant 0 : i32
        %dma_wait3A_46 = tpu.memref_slice %arg5[%dma_wait3A, %dma_wait3A_45] : memref<16x2048xf32, #tpu.memory_space<vmem>> -> memref<8x512xf32, #tpu.memory_space<vmem>>
        %dma_wait3A_47 = arith.constant 0 : i32
        %dma_wait3A_48 = tpu.memref_slice %arg2[%dma_wait3A_47, %mul3A_25] : memref<16x1000000xf32, #tpu.memory_space<hbm>> -> memref<8x512xf32, #tpu.memory_space<hbm>>
        %dma_wait3A_49 = arith.constant 0 : i32
        %dma_wait3A_50 = arith.constant 0 : i32
        %dma_wait3A_51 = tpu.memref_slice %arg5[%dma_wait3A_49, %dma_wait3A_50] : memref<16x2048xf32, #tpu.memory_space<vmem>> -> memref<8x512xf32, #tpu.memory_space<vmem>>
        %dma_wait3A_52 = arith.constant 0 : i32
        %dma_wait3A_53 = tpu.memref_slice %arg2[%dma_wait3A_52, %mul3A_25] : memref<16x1000000xf32, #tpu.memory_space<hbm>> -> memref<8x512xf32, #tpu.memory_space<hbm>>
        tpu.wait_dma2 semaphore(%arg7 : memref<!tpu.dma_semaphore, #tpu.memory_space<semaphore_mem>>) src(%dma_wait3A_53 : memref<8x512xf32, #tpu.memory_space<hbm>>) dst(%dma_wait3A_51 : memref<8x512xf32, #tpu.memory_space<vmem>>)
        %dma_wait3A_54 = arith.constant 8 : i32
        %dma_wait3A_55 = arith.constant 0 : i32
        %dma_wait3A_56 = tpu.memref_slice %arg5[%dma_wait3A_54, %dma_wait3A_55] : memref<16x2048xf32, #tpu.memory_space<vmem>> -> memref<8x512xf32, #tpu.memory_space<vmem>>
        %dma_wait3A_57 = arith.constant 8 : i32
        %dma_wait3A_58 = tpu.memref_slice %arg2[%dma_wait3A_57, %mul3A_25] : memref<16x1000000xf32, #tpu.memory_space<hbm>> -> memref<8x512xf32, #tpu.memory_space<hbm>>
        %dma_wait3A_59 = arith.constant 8 : i32
        %dma_wait3A_60 = arith.constant 0 : i32
        %dma_wait3A_61 = tpu.memref_slice %arg5[%dma_wait3A_59, %dma_wait3A_60] : memref<16x2048xf32, #tpu.memory_space<vmem>> -> memref<8x512xf32, #tpu.memory_space<vmem>>
        %dma_wait3A_62 = arith.constant 8 : i32
        %dma_wait3A_63 = tpu.memref_slice %arg2[%dma_wait3A_62, %mul3A_25] : memref<16x1000000xf32, #tpu.memory_space<hbm>> -> memref<8x512xf32, #tpu.memory_space<hbm>>
        tpu.wait_dma2 semaphore(%arg7 : memref<!tpu.dma_semaphore, #tpu.memory_space<semaphore_mem>>) src(%dma_wait3A_63 : memref<8x512xf32, #tpu.memory_space<hbm>>) dst(%dma_wait3A_61 : memref<8x512xf32, #tpu.memory_space<vmem>>)
        %add3A_64 = arith.constant 0 : i32
        %add3A_65 = vector.broadcast %add3A_64 : i32 to vector<16xi32>
        %add3A_66 = arith.addi %iota3A, %add3A_65 : vector<16xi32>
        %and3A = arith.constant 15 : i32
        %and3A_67 = vector.broadcast %and3A : i32 to vector<16xi32>
        %and3A_68 = arith.andi %add3A_66, %and3A_67 : vector<16xi32>
        %add3A_69 = arith.constant 1 : i32
        %add3A_70 = vector.broadcast %add3A_69 : i32 to vector<16xi32>
        %add3A_71 = arith.addi %iota3A, %add3A_70 : vector<16xi32>
        %and3A_72 = arith.constant 15 : i32
        %and3A_73 = vector.broadcast %and3A_72 : i32 to vector<16xi32>
        %and3A_74 = arith.andi %add3A_71, %and3A_73 : vector<16xi32>
        %add3A_75 = arith.constant 2 : i32
        %add3A_76 = vector.broadcast %add3A_75 : i32 to vector<16xi32>
        %add3A_77 = arith.addi %iota3A, %add3A_76 : vector<16xi32>
        %and3A_78 = arith.constant 15 : i32
        %and3A_79 = vector.broadcast %and3A_78 : i32 to vector<16xi32>
        %and3A_80 = arith.andi %add3A_77, %and3A_79 : vector<16xi32>
        %add3A_81 = arith.constant 3 : i32
        %add3A_82 = vector.broadcast %add3A_81 : i32 to vector<16xi32>
        %add3A_83 = arith.addi %iota3A, %add3A_82 : vector<16xi32>
        %and3A_84 = arith.constant 15 : i32
        %and3A_85 = vector.broadcast %and3A_84 : i32 to vector<16xi32>
        %and3A_86 = arith.andi %add3A_83, %and3A_85 : vector<16xi32>
        %add3A_87 = arith.constant 4 : i32
        %add3A_88 = vector.broadcast %add3A_87 : i32 to vector<16xi32>
        %add3A_89 = arith.addi %iota3A, %add3A_88 : vector<16xi32>
        %and3A_90 = arith.constant 15 : i32
        %and3A_91 = vector.broadcast %and3A_90 : i32 to vector<16xi32>
        %and3A_92 = arith.andi %add3A_89, %and3A_91 : vector<16xi32>
        %add3A_93 = arith.constant 5 : i32
        %add3A_94 = vector.broadcast %add3A_93 : i32 to vector<16xi32>
        %add3A_95 = arith.addi %iota3A, %add3A_94 : vector<16xi32>
        %and3A_96 = arith.constant 15 : i32
        %and3A_97 = vector.broadcast %and3A_96 : i32 to vector<16xi32>
        %and3A_98 = arith.andi %add3A_95, %and3A_97 : vector<16xi32>
        %add3A_99 = arith.constant 6 : i32
        %add3A_100 = vector.broadcast %add3A_99 : i32 to vector<16xi32>
        %add3A_101 = arith.addi %iota3A, %add3A_100 : vector<16xi32>
        %and3A_102 = arith.constant 15 : i32
        %and3A_103 = vector.broadcast %and3A_102 : i32 to vector<16xi32>
        %and3A_104 = arith.andi %add3A_101, %and3A_103 : vector<16xi32>
        %add3A_105 = arith.constant 7 : i32
        %add3A_106 = vector.broadcast %add3A_105 : i32 to vector<16xi32>
        %add3A_107 = arith.addi %iota3A, %add3A_106 : vector<16xi32>
        %and3A_108 = arith.constant 15 : i32
        %and3A_109 = vector.broadcast %and3A_108 : i32 to vector<16xi32>
        %and3A_110 = arith.andi %add3A_107, %and3A_109 : vector<16xi32>
        %add3A_111 = arith.constant 8 : i32
        %add3A_112 = vector.broadcast %add3A_111 : i32 to vector<16xi32>
        %add3A_113 = arith.addi %iota3A, %add3A_112 : vector<16xi32>
        %and3A_114 = arith.constant 15 : i32
        %and3A_115 = vector.broadcast %and3A_114 : i32 to vector<16xi32>
        %and3A_116 = arith.andi %add3A_113, %and3A_115 : vector<16xi32>
        %add3A_117 = arith.constant 9 : i32
        %add3A_118 = vector.broadcast %add3A_117 : i32 to vector<16xi32>
        %add3A_119 = arith.addi %iota3A, %add3A_118 : vector<16xi32>
        %and3A_120 = arith.constant 15 : i32
        %and3A_121 = vector.broadcast %and3A_120 : i32 to vector<16xi32>
        %and3A_122 = arith.andi %add3A_119, %and3A_121 : vector<16xi32>
        %add3A_123 = arith.constant 10 : i32
        %add3A_124 = vector.broadcast %add3A_123 : i32 to vector<16xi32>
        %add3A_125 = arith.addi %iota3A, %add3A_124 : vector<16xi32>
        %and3A_126 = arith.constant 15 : i32
        %and3A_127 = vector.broadcast %and3A_126 : i32 to vector<16xi32>
        %and3A_128 = arith.andi %add3A_125, %and3A_127 : vector<16xi32>
        %add3A_129 = arith.constant 11 : i32
        %add3A_130 = vector.broadcast %add3A_129 : i32 to vector<16xi32>
        %add3A_131 = arith.addi %iota3A, %add3A_130 : vector<16xi32>
        %and3A_132 = arith.constant 15 : i32
        %and3A_133 = vector.broadcast %and3A_132 : i32 to vector<16xi32>
        %and3A_134 = arith.andi %add3A_131, %and3A_133 : vector<16xi32>
        %add3A_135 = arith.constant 12 : i32
        %add3A_136 = vector.broadcast %add3A_135 : i32 to vector<16xi32>
        %add3A_137 = arith.addi %iota3A, %add3A_136 : vector<16xi32>
        %and3A_138 = arith.constant 15 : i32
        %and3A_139 = vector.broadcast %and3A_138 : i32 to vector<16xi32>
        %and3A_140 = arith.andi %add3A_137, %and3A_139 : vector<16xi32>
        %add3A_141 = arith.constant 13 : i32
        %add3A_142 = vector.broadcast %add3A_141 : i32 to vector<16xi32>
        %add3A_143 = arith.addi %iota3A, %add3A_142 : vector<16xi32>
        %and3A_144 = arith.constant 15 : i32
        %and3A_145 = vector.broadcast %and3A_144 : i32 to vector<16xi32>
        %and3A_146 = arith.andi %add3A_143, %and3A_145 : vector<16xi32>
        %add3A_147 = arith.constant 14 : i32
        %add3A_148 = vector.broadcast %add3A_147 : i32 to vector<16xi32>
        %add3A_149 = arith.addi %iota3A, %add3A_148 : vector<16xi32>
        %and3A_150 = arith.constant 15 : i32
        %and3A_151 = vector.broadcast %and3A_150 : i32 to vector<16xi32>
        %and3A_152 = arith.andi %add3A_149, %and3A_151 : vector<16xi32>
        %add3A_153 = arith.constant 15 : i32
        %add3A_154 = vector.broadcast %add3A_153 : i32 to vector<16xi32>
        %add3A_155 = arith.addi %iota3A, %add3A_154 : vector<16xi32>
        %and3A_156 = arith.constant 15 : i32
        %and3A_157 = vector.broadcast %and3A_156 : i32 to vector<16xi32>
        %and3A_158 = arith.andi %add3A_155, %and3A_157 : vector<16xi32>
        %scan3A_159 = arith.constant 0 : i32
        %scan3A_160 = arith.constant 32 : i32
        %scan3A_161 = arith.addi %scan3A_159, %scan3A_160 : i32
        %scan3A_162 = arith.constant 1 : i32
        %scan3A_163 = scf.for %scan3A_167 = %scan3A_159 to %scan3A_161 step %scan3A_162 iter_args(%scan3A_168 = %iota3A) -> (vector<16xi32>)  : i32 {
          %mul3A_169 = arith.constant 16 : i32
          %mul3A_170 = vector.broadcast %mul3A_169 : i32 to vector<16xi32>
          %mul3A_171 = arith.muli %scan3A_168, %mul3A_170 : vector<16xi32>
          %gather3A = tpu.vector_load_idx %arg5[%and3A_68, %scan3A_168] : memref<16x2048xf32, #tpu.memory_space<vmem>>[vector<16xi32>, vector<16xi32>], vector<16xf32>,
          %add3A_172 = arith.addi %mul3A_171, %and3A_68 : vector<16xi32>
          tpu.vector_store_idx %arg6[%add3A_172], %gather3A : memref<32768xf32, #tpu.memory_space<vmem>>[vector<16xi32>], vector<16xf32>,
          %gather3A_173 = tpu.vector_load_idx %arg5[%and3A_74, %scan3A_168] : memref<16x2048xf32, #tpu.memory_space<vmem>>[vector<16xi32>, vector<16xi32>], vector<16xf32>,
          %add3A_174 = arith.addi %mul3A_171, %and3A_74 : vector<16xi32>
          tpu.vector_store_idx %arg6[%add3A_174], %gather3A_173 : memref<32768xf32, #tpu.memory_space<vmem>>[vector<16xi32>], vector<16xf32>,
          %gather3A_175 = tpu.vector_load_idx %arg5[%and3A_80, %scan3A_168] : memref<16x2048xf32, #tpu.memory_space<vmem>>[vector<16xi32>, vector<16xi32>], vector<16xf32>,
          %add3A_176 = arith.addi %mul3A_171, %and3A_80 : vector<16xi32>
          tpu.vector_store_idx %arg6[%add3A_176], %gather3A_175 : memref<32768xf32, #tpu.memory_space<vmem>>[vector<16xi32>], vector<16xf32>,
          %gather3A_177 = tpu.vector_load_idx %arg5[%and3A_86, %scan3A_168] : memref<16x2048xf32, #tpu.memory_space<vmem>>[vector<16xi32>, vector<16xi32>], vector<16xf32>,
          %add3A_178 = arith.addi %mul3A_171, %and3A_86 : vector<16xi32>
          tpu.vector_store_idx %arg6[%add3A_178], %gather3A_177 : memref<32768xf32, #tpu.memory_space<vmem>>[vector<16xi32>], vector<16xf32>,
          %gather3A_179 = tpu.vector_load_idx %arg5[%and3A_92, %scan3A_168] : memref<16x2048xf32, #tpu.memory_space<vmem>>[vector<16xi32>, vector<16xi32>], vector<16xf32>,
          %add3A_180 = arith.addi %mul3A_171, %and3A_92 : vector<16xi32>
          tpu.vector_store_idx %arg6[%add3A_180], %gather3A_179 : memref<32768xf32, #tpu.memory_space<vmem>>[vector<16xi32>], vector<16xf32>,
          %gather3A_181 = tpu.vector_load_idx %arg5[%and3A_98, %scan3A_168] : memref<16x2048xf32, #tpu.memory_space<vmem>>[vector<16xi32>, vector<16xi32>], vector<16xf32>,
          %add3A_182 = arith.addi %mul3A_171, %and3A_98 : vector<16xi32>
          tpu.vector_store_idx %arg6[%add3A_182], %gather3A_181 : memref<32768xf32, #tpu.memory_space<vmem>>[vector<16xi32>], vector<16xf32>,
          %gather3A_183 = tpu.vector_load_idx %arg5[%and3A_104, %scan3A_168] : memref<16x2048xf32, #tpu.memory_space<vmem>>[vector<16xi32>, vector<16xi32>], vector<16xf32>,
          %add3A_184 = arith.addi %mul3A_171, %and3A_104 : vector<16xi32>
          tpu.vector_store_idx %arg6[%add3A_184], %gather3A_183 : memref<32768xf32, #tpu.memory_space<vmem>>[vector<16xi32>], vector<16xf32>,
          %gather3A_185 = tpu.vector_load_idx %arg5[%and3A_110, %scan3A_168] : memref<16x2048xf32, #tpu.memory_space<vmem>>[vector<16xi32>, vector<16xi32>], vector<16xf32>,
          %add3A_186 = arith.addi %mul3A_171, %and3A_110 : vector<16xi32>
          tpu.vector_store_idx %arg6[%add3A_186], %gather3A_185 : memref<32768xf32, #tpu.memory_space<vmem>>[vector<16xi32>], vector<16xf32>,
          %gather3A_187 = tpu.vector_load_idx %arg5[%and3A_116, %scan3A_168] : memref<16x2048xf32, #tpu.memory_space<vmem>>[vector<16xi32>, vector<16xi32>], vector<16xf32>,
          %add3A_188 = arith.addi %mul3A_171, %and3A_116 : vector<16xi32>
          tpu.vector_store_idx %arg6[%add3A_188], %gather3A_187 : memref<32768xf32, #tpu.memory_space<vmem>>[vector<16xi32>], vector<16xf32>,
          %gather3A_189 = tpu.vector_load_idx %arg5[%and3A_122, %scan3A_168] : memref<16x2048xf32, #tpu.memory_space<vmem>>[vector<16xi32>, vector<16xi32>], vector<16xf32>,
          %add3A_190 = arith.addi %mul3A_171, %and3A_122 : vector<16xi32>
          tpu.vector_store_idx %arg6[%add3A_190], %gather3A_189 : memref<32768xf32, #tpu.memory_space<vmem>>[vector<16xi32>], vector<16xf32>,
          %gather3A_191 = tpu.vector_load_idx %arg5[%and3A_128, %scan3A_168] : memref<16x2048xf32, #tpu.memory_space<vmem>>[vector<16xi32>, vector<16xi32>], vector<16xf32>,
          %add3A_192 = arith.addi %mul3A_171, %and3A_128 : vector<16xi32>
          tpu.vector_store_idx %arg6[%add3A_192], %gather3A_191 : memref<32768xf32, #tpu.memory_space<vmem>>[vector<16xi32>], vector<16xf32>,
          %gather3A_193 = tpu.vector_load_idx %arg5[%and3A_134, %scan3A_168] : memref<16x2048xf32, #tpu.memory_space<vmem>>[vector<16xi32>, vector<16xi32>], vector<16xf32>,
          %add3A_194 = arith.addi %mul3A_171, %and3A_134 : vector<16xi32>
          tpu.vector_store_idx %arg6[%add3A_194], %gather3A_193 : memref<32768xf32, #tpu.memory_space<vmem>>[vector<16xi32>], vector<16xf32>,
          %gather3A_195 = tpu.vector_load_idx %arg5[%and3A_140, %scan3A_168] : memref<16x2048xf32, #tpu.memory_space<vmem>>[vector<16xi32>, vector<16xi32>], vector<16xf32>,
          %add3A_196 = arith.addi %mul3A_171, %and3A_140 : vector<16xi32>
          tpu.vector_store_idx %arg6[%add3A_196], %gather3A_195 : memref<32768xf32, #tpu.memory_space<vmem>>[vector<16xi32>], vector<16xf32>,
          %gather3A_197 = tpu.vector_load_idx %arg5[%and3A_146, %scan3A_168] : memref<16x2048xf32, #tpu.memory_space<vmem>>[vector<16xi32>, vector<16xi32>], vector<16xf32>,
          %add3A_198 = arith.addi %mul3A_171, %and3A_146 : vector<16xi32>
          tpu.vector_store_idx %arg6[%add3A_198], %gather3A_197 : memref<32768xf32, #tpu.memory_space<vmem>>[vector<16xi32>], vector<16xf32>,
          %gather3A_199 = tpu.vector_load_idx %arg5[%and3A_152, %scan3A_168] : memref<16x2048xf32, #tpu.memory_space<vmem>>[vector<16xi32>, vector<16xi32>], vector<16xf32>,
          %add3A_200 = arith.addi %mul3A_171, %and3A_152 : vector<16xi32>
          tpu.vector_store_idx %arg6[%add3A_200], %gather3A_199 : memref<32768xf32, #tpu.memory_space<vmem>>[vector<16xi32>], vector<16xf32>,
          %gather3A_201 = tpu.vector_load_idx %arg5[%and3A_158, %scan3A_168] : memref<16x2048xf32, #tpu.memory_space<vmem>>[vector<16xi32>, vector<16xi32>], vector<16xf32>,
          %add3A_202 = arith.addi %mul3A_171, %and3A_158 : vector<16xi32>
          tpu.vector_store_idx %arg6[%add3A_202], %gather3A_201 : memref<32768xf32, #tpu.memory_space<vmem>>[vector<16xi32>], vector<16xf32>,
          %add3A_203 = arith.constant 16 : i32
          %add3A_204 = vector.broadcast %add3A_203 : i32 to vector<16xi32>
          %add3A_205 = arith.addi %scan3A_168, %add3A_204 : vector<16xi32>
          scf.yield %add3A_205 : vector<16xi32>
        }
        %scan3A_164 = arith.constant 32 : i32
        %delay3A = arith.constant 100 : i32
        tpu.delay %delay3A
        %mul3A_165 = arith.constant 16 : i32
        %mul3A_166 = arith.muli %mul3A_25, %mul3A_165 : i32
        "tpu.region"() ({
          %run_scoped3A = tpu.sem_alloc : memref<!tpu.dma_semaphore, #tpu.memory_space<semaphore_mem>>
          %dma_start3A_167 = arith.constant 0 : i32
          %dma_start3A_168 = tpu.memref_slice %arg6[%dma_start3A_167] : memref<32768xf32, #tpu.memory_space<vmem>> -> memref<8192xf32, #tpu.memory_space<vmem>>
          %dma_start3A_169 = tpu.memref_slice %arg4[%mul3A_166] : memref<16000000xf32, #tpu.memory_space<hbm>> -> memref<8192xf32, #tpu.memory_space<hbm>>
          %dma_start3A_170 = tpu.memref_slice %arg4[%mul3A_166] : memref<16000000xf32, #tpu.memory_space<hbm>> -> memref<8192xf32, #tpu.memory_space<hbm>>
          %dma_start3A_171 = arith.constant 0 : i32
          %dma_start3A_172 = tpu.memref_slice %arg6[%dma_start3A_171] : memref<32768xf32, #tpu.memory_space<vmem>> -> memref<8192xf32, #tpu.memory_space<vmem>>
          tpu.enqueue_dma source(%dma_start3A_172 : memref<8192xf32, #tpu.memory_space<vmem>>) target(%dma_start3A_170 : memref<8192xf32, #tpu.memory_space<hbm>>) target_semaphore(%run_scoped3A : memref<!tpu.dma_semaphore, #tpu.memory_space<semaphore_mem>>)
          %dma_wait3A_173 = arith.constant 0 : i32
          %dma_wait3A_174 = tpu.memref_slice %arg6[%dma_wait3A_173] : memref<32768xf32, #tpu.memory_space<vmem>> -> memref<8192xf32, #tpu.memory_space<vmem>>
          %dma_wait3A_175 = tpu.memref_slice %arg4[%mul3A_166] : memref<16000000xf32, #tpu.memory_space<hbm>> -> memref<8192xf32, #tpu.memory_space<hbm>>
          %dma_wait3A_176 = tpu.memref_slice %arg4[%mul3A_166] : memref<16000000xf32, #tpu.memory_space<hbm>> -> memref<8192xf32, #tpu.memory_space<hbm>>
          %dma_wait3A_177 = arith.constant 0 : i32
          %dma_wait3A_178 = tpu.memref_slice %arg6[%dma_wait3A_177] : memref<32768xf32, #tpu.memory_space<vmem>> -> memref<8192xf32, #tpu.memory_space<vmem>>
          tpu.wait_dma2 semaphore(%run_scoped3A : memref<!tpu.dma_semaphore, #tpu.memory_space<semaphore_mem>>) src(%dma_wait3A_178 : memref<8192xf32, #tpu.memory_space<vmem>>) dst(%dma_wait3A_176 : memref<8192xf32, #tpu.memory_space<hbm>>)
          tpu.yield
        }) : () -> ()
      } else {
      }
      %scan3A_23 = arith.constant 0 : i32
      scf.yield %scan3A_23 : i32
    }
    %scan3A_8 = arith.constant 16 : i32
    return
  }
}

#map = affine_map<(d0, d1) -> (0)>
#map1 = affine_map<(d0, d1) -> (0, 0)>
module attributes {stable_mosaic.version = 14 : i64} {
  func.func @_bag_body(%arg0: i32, %arg1: i32, %arg2: memref<327680xi32, #tpu.memory_space<hbm>>, %arg3: memref<1000000x16xf32, #tpu.memory_space<hbm>>, %arg4: memref<16xf32, #tpu.memory_space<hbm>>, %arg5: memref<262144xf32, #tpu.memory_space<hbm>>, %arg6: memref<10240xi32, #tpu.memory_space<vmem>>, %arg7: memref<1280x16xf32, #tpu.memory_space<vmem>>, %arg8: memref<1024xf32, #tpu.memory_space<vmem>>, %arg9: memref<16xf32, #tpu.memory_space<vmem>>, %arg10: memref<!tpu.dma_semaphore, #tpu.memory_space<semaphore_mem>>) attributes {dimension_semantics = [#tpu.dimension_semantics<core_parallel>, #tpu.dimension_semantics<subcore_parallel>], iteration_bounds = array<i64: 2, 16>, scalar_prefetch = 0 : i64, scratch_operands = 5 : i64, tpu.core_type = #tpu.core_type<sc_vector_subcore>, window_params = [{transform_indices = #map}, {transform_indices = #map1}, {transform_indices = #map}, {transform_indices = #map}]} {
    %mul3A = arith.constant 2 : i32
    %mul3A_0 = arith.muli %arg1, %mul3A : i32
    %add3A = arith.addi %mul3A_0, %arg0 : i32
    "tpu.region"() ({
      %run_scoped3A = tpu.sem_alloc : memref<!tpu.dma_semaphore, #tpu.memory_space<semaphore_mem>>
      tpu.enqueue_dma source(%arg4 : memref<16xf32, #tpu.memory_space<hbm>>) target(%arg9 : memref<16xf32, #tpu.memory_space<vmem>>) target_semaphore(%run_scoped3A : memref<!tpu.dma_semaphore, #tpu.memory_space<semaphore_mem>>)
      tpu.wait_dma2 semaphore(%run_scoped3A : memref<!tpu.dma_semaphore, #tpu.memory_space<semaphore_mem>>) src(%arg4 : memref<16xf32, #tpu.memory_space<hbm>>) dst(%arg9 : memref<16xf32, #tpu.memory_space<vmem>>)
      tpu.yield
    }) : () -> ()
    %get3A = arith.constant 0 : index
    %get3A_1 = tpu.vector_load %arg9[%get3A] {strides = array<i32>} : memref<16xf32, #tpu.memory_space<vmem>>, vector<16xf32>,
    %mul3A_2 = arith.constant 10240 : i32
    %mul3A_3 = arith.muli %add3A, %mul3A_2 : i32
    "tpu.region"() ({
      %run_scoped3A = tpu.sem_alloc : memref<!tpu.dma_semaphore, #tpu.memory_space<semaphore_mem>>
      %dma_start3A = tpu.memref_slice %arg2[%mul3A_3] : memref<327680xi32, #tpu.memory_space<hbm>> -> memref<10240xi32, #tpu.memory_space<hbm>>
      %dma_start3A_10 = tpu.memref_slice %arg2[%mul3A_3] : memref<327680xi32, #tpu.memory_space<hbm>> -> memref<10240xi32, #tpu.memory_space<hbm>>
      tpu.enqueue_dma source(%dma_start3A_10 : memref<10240xi32, #tpu.memory_space<hbm>>) target(%arg6 : memref<10240xi32, #tpu.memory_space<vmem>>) target_semaphore(%run_scoped3A : memref<!tpu.dma_semaphore, #tpu.memory_space<semaphore_mem>>)
      %dma_wait3A = tpu.memref_slice %arg2[%mul3A_3] : memref<327680xi32, #tpu.memory_space<hbm>> -> memref<10240xi32, #tpu.memory_space<hbm>>
      %dma_wait3A_11 = tpu.memref_slice %arg2[%mul3A_3] : memref<327680xi32, #tpu.memory_space<hbm>> -> memref<10240xi32, #tpu.memory_space<hbm>>
      tpu.wait_dma2 semaphore(%run_scoped3A : memref<!tpu.dma_semaphore, #tpu.memory_space<semaphore_mem>>) src(%dma_wait3A_11 : memref<10240xi32, #tpu.memory_space<hbm>>) dst(%arg6 : memref<10240xi32, #tpu.memory_space<vmem>>)
      tpu.yield
    }) : () -> ()
    %scan3A = arith.constant 0 : i32
    %scan3A_4 = arith.constant 0 : i32
    %scan3A_5 = arith.constant 8 : i32
    %scan3A_6 = arith.addi %scan3A_4, %scan3A_5 : i32
    %scan3A_7 = arith.constant 1 : i32
    %scan3A_8 = scf.for %scan3A_10 = %scan3A_4 to %scan3A_6 step %scan3A_7 iter_args(%scan3A_11 = %scan3A) -> (i32)  : i32 {
      %mul3A_12 = arith.constant 512 : i32
      %mul3A_13 = arith.muli %add3A, %mul3A_12 : i32
      %mul3A_14 = arith.constant 64 : i32
      %mul3A_15 = arith.muli %scan3A_10, %mul3A_14 : i32
      %add3A_16 = arith.addi %mul3A_13, %mul3A_15 : i32
      %mul3A_17 = arith.constant 16 : i32
      %mul3A_18 = arith.muli %add3A_16, %mul3A_17 : i32
      %mul3A_19 = arith.constant 10 : i32
      %mul3A_20 = arith.muli %scan3A_10, %mul3A_19 : i32
      %add3A_21 = arith.constant 0 : i32
      %add3A_22 = arith.addi %mul3A_20, %add3A_21 : i32
      %mul3A_23 = arith.constant 128 : i32
      %mul3A_24 = arith.muli %add3A_22, %mul3A_23 : i32
      %dma_start3A = arith.constant 0 : i32
      %dma_start3A_25 = arith.constant 0 : i32
      %dma_start3A_26 = tpu.memref_slice %arg7[%dma_start3A, %dma_start3A_25] : memref<1280x16xf32, #tpu.memory_space<vmem>> -> memref<128x16xf32, #tpu.memory_space<vmem>>
      %dma_start3A_27 = tpu.memref_slice %arg6[%mul3A_24] : memref<10240xi32, #tpu.memory_space<vmem>> -> memref<128xi32, #tpu.memory_space<vmem>>
      %dma_start3A_28 = arith.constant 0 : i32
      %dma_start3A_29 = arith.constant 0 : i32
      %dma_start3A_30 = tpu.memref_slice %arg3[%dma_start3A_28, %dma_start3A_29] : memref<1000000x16xf32, #tpu.memory_space<hbm>> -> memref<1000000x16xf32, #tpu.memory_space<hbm>>
      tpu.enqueue_indirect_dma source(%dma_start3A_30 : memref<1000000x16xf32, #tpu.memory_space<hbm>>) target(%dma_start3A_26 : memref<128x16xf32, #tpu.memory_space<vmem>>) offsets(%dma_start3A_27 : memref<128xi32, #tpu.memory_space<vmem>>) semaphore(%arg10 : memref<!tpu.dma_semaphore, #tpu.memory_space<semaphore_mem>>)
      %mul3A_31 = arith.constant 10 : i32
      %mul3A_32 = arith.muli %scan3A_10, %mul3A_31 : i32
      %add3A_33 = arith.constant 1 : i32
      %add3A_34 = arith.addi %mul3A_32, %add3A_33 : i32
      %mul3A_35 = arith.constant 128 : i32
      %mul3A_36 = arith.muli %add3A_34, %mul3A_35 : i32
      %dma_start3A_37 = arith.constant 128 : i32
      %dma_start3A_38 = arith.constant 0 : i32
      %dma_start3A_39 = tpu.memref_slice %arg7[%dma_start3A_37, %dma_start3A_38] : memref<1280x16xf32, #tpu.memory_space<vmem>> -> memref<128x16xf32, #tpu.memory_space<vmem>>
      %dma_start3A_40 = tpu.memref_slice %arg6[%mul3A_36] : memref<10240xi32, #tpu.memory_space<vmem>> -> memref<128xi32, #tpu.memory_space<vmem>>
      %dma_start3A_41 = arith.constant 0 : i32
      %dma_start3A_42 = arith.constant 0 : i32
      %dma_start3A_43 = tpu.memref_slice %arg3[%dma_start3A_41, %dma_start3A_42] : memref<1000000x16xf32, #tpu.memory_space<hbm>> -> memref<1000000x16xf32, #tpu.memory_space<hbm>>
      tpu.enqueue_indirect_dma source(%dma_start3A_43 : memref<1000000x16xf32, #tpu.memory_space<hbm>>) target(%dma_start3A_39 : memref<128x16xf32, #tpu.memory_space<vmem>>) offsets(%dma_start3A_40 : memref<128xi32, #tpu.memory_space<vmem>>) semaphore(%arg10 : memref<!tpu.dma_semaphore, #tpu.memory_space<semaphore_mem>>)
      %mul3A_44 = arith.constant 10 : i32
      %mul3A_45 = arith.muli %scan3A_10, %mul3A_44 : i32
      %add3A_46 = arith.constant 2 : i32
      %add3A_47 = arith.addi %mul3A_45, %add3A_46 : i32
      %mul3A_48 = arith.constant 128 : i32
      %mul3A_49 = arith.muli %add3A_47, %mul3A_48 : i32
      %dma_start3A_50 = arith.constant 256 : i32
      %dma_start3A_51 = arith.constant 0 : i32
      %dma_start3A_52 = tpu.memref_slice %arg7[%dma_start3A_50, %dma_start3A_51] : memref<1280x16xf32, #tpu.memory_space<vmem>> -> memref<128x16xf32, #tpu.memory_space<vmem>>
      %dma_start3A_53 = tpu.memref_slice %arg6[%mul3A_49] : memref<10240xi32, #tpu.memory_space<vmem>> -> memref<128xi32, #tpu.memory_space<vmem>>
      %dma_start3A_54 = arith.constant 0 : i32
      %dma_start3A_55 = arith.constant 0 : i32
      %dma_start3A_56 = tpu.memref_slice %arg3[%dma_start3A_54, %dma_start3A_55] : memref<1000000x16xf32, #tpu.memory_space<hbm>> -> memref<1000000x16xf32, #tpu.memory_space<hbm>>
      tpu.enqueue_indirect_dma source(%dma_start3A_56 : memref<1000000x16xf32, #tpu.memory_space<hbm>>) target(%dma_start3A_52 : memref<128x16xf32, #tpu.memory_space<vmem>>) offsets(%dma_start3A_53 : memref<128xi32, #tpu.memory_space<vmem>>) semaphore(%arg10 : memref<!tpu.dma_semaphore, #tpu.memory_space<semaphore_mem>>)
      %mul3A_57 = arith.constant 10 : i32
      %mul3A_58 = arith.muli %scan3A_10, %mul3A_57 : i32
      %add3A_59 = arith.constant 3 : i32
      %add3A_60 = arith.addi %mul3A_58, %add3A_59 : i32
      %mul3A_61 = arith.constant 128 : i32
      %mul3A_62 = arith.muli %add3A_60, %mul3A_61 : i32
      %dma_start3A_63 = arith.constant 384 : i32
      %dma_start3A_64 = arith.constant 0 : i32
      %dma_start3A_65 = tpu.memref_slice %arg7[%dma_start3A_63, %dma_start3A_64] : memref<1280x16xf32, #tpu.memory_space<vmem>> -> memref<128x16xf32, #tpu.memory_space<vmem>>
      %dma_start3A_66 = tpu.memref_slice %arg6[%mul3A_62] : memref<10240xi32, #tpu.memory_space<vmem>> -> memref<128xi32, #tpu.memory_space<vmem>>
      %dma_start3A_67 = arith.constant 0 : i32
      %dma_start3A_68 = arith.constant 0 : i32
      %dma_start3A_69 = tpu.memref_slice %arg3[%dma_start3A_67, %dma_start3A_68] : memref<1000000x16xf32, #tpu.memory_space<hbm>> -> memref<1000000x16xf32, #tpu.memory_space<hbm>>
      tpu.enqueue_indirect_dma source(%dma_start3A_69 : memref<1000000x16xf32, #tpu.memory_space<hbm>>) target(%dma_start3A_65 : memref<128x16xf32, #tpu.memory_space<vmem>>) offsets(%dma_start3A_66 : memref<128xi32, #tpu.memory_space<vmem>>) semaphore(%arg10 : memref<!tpu.dma_semaphore, #tpu.memory_space<semaphore_mem>>)
      %mul3A_70 = arith.constant 10 : i32
      %mul3A_71 = arith.muli %scan3A_10, %mul3A_70 : i32
      %add3A_72 = arith.constant 4 : i32
      %add3A_73 = arith.addi %mul3A_71, %add3A_72 : i32
      %mul3A_74 = arith.constant 128 : i32
      %mul3A_75 = arith.muli %add3A_73, %mul3A_74 : i32
      %dma_start3A_76 = arith.constant 512 : i32
      %dma_start3A_77 = arith.constant 0 : i32
      %dma_start3A_78 = tpu.memref_slice %arg7[%dma_start3A_76, %dma_start3A_77] : memref<1280x16xf32, #tpu.memory_space<vmem>> -> memref<128x16xf32, #tpu.memory_space<vmem>>
      %dma_start3A_79 = tpu.memref_slice %arg6[%mul3A_75] : memref<10240xi32, #tpu.memory_space<vmem>> -> memref<128xi32, #tpu.memory_space<vmem>>
      %dma_start3A_80 = arith.constant 0 : i32
      %dma_start3A_81 = arith.constant 0 : i32
      %dma_start3A_82 = tpu.memref_slice %arg3[%dma_start3A_80, %dma_start3A_81] : memref<1000000x16xf32, #tpu.memory_space<hbm>> -> memref<1000000x16xf32, #tpu.memory_space<hbm>>
      tpu.enqueue_indirect_dma source(%dma_start3A_82 : memref<1000000x16xf32, #tpu.memory_space<hbm>>) target(%dma_start3A_78 : memref<128x16xf32, #tpu.memory_space<vmem>>) offsets(%dma_start3A_79 : memref<128xi32, #tpu.memory_space<vmem>>) semaphore(%arg10 : memref<!tpu.dma_semaphore, #tpu.memory_space<semaphore_mem>>)
      %mul3A_83 = arith.constant 10 : i32
      %mul3A_84 = arith.muli %scan3A_10, %mul3A_83 : i32
      %add3A_85 = arith.constant 5 : i32
      %add3A_86 = arith.addi %mul3A_84, %add3A_85 : i32
      %mul3A_87 = arith.constant 128 : i32
      %mul3A_88 = arith.muli %add3A_86, %mul3A_87 : i32
      %dma_start3A_89 = arith.constant 640 : i32
      %dma_start3A_90 = arith.constant 0 : i32
      %dma_start3A_91 = tpu.memref_slice %arg7[%dma_start3A_89, %dma_start3A_90] : memref<1280x16xf32, #tpu.memory_space<vmem>> -> memref<128x16xf32, #tpu.memory_space<vmem>>
      %dma_start3A_92 = tpu.memref_slice %arg6[%mul3A_88] : memref<10240xi32, #tpu.memory_space<vmem>> -> memref<128xi32, #tpu.memory_space<vmem>>
      %dma_start3A_93 = arith.constant 0 : i32
      %dma_start3A_94 = arith.constant 0 : i32
      %dma_start3A_95 = tpu.memref_slice %arg3[%dma_start3A_93, %dma_start3A_94] : memref<1000000x16xf32, #tpu.memory_space<hbm>> -> memref<1000000x16xf32, #tpu.memory_space<hbm>>
      tpu.enqueue_indirect_dma source(%dma_start3A_95 : memref<1000000x16xf32, #tpu.memory_space<hbm>>) target(%dma_start3A_91 : memref<128x16xf32, #tpu.memory_space<vmem>>) offsets(%dma_start3A_92 : memref<128xi32, #tpu.memory_space<vmem>>) semaphore(%arg10 : memref<!tpu.dma_semaphore, #tpu.memory_space<semaphore_mem>>)
      %mul3A_96 = arith.constant 10 : i32
      %mul3A_97 = arith.muli %scan3A_10, %mul3A_96 : i32
      %add3A_98 = arith.constant 6 : i32
      %add3A_99 = arith.addi %mul3A_97, %add3A_98 : i32
      %mul3A_100 = arith.constant 128 : i32
      %mul3A_101 = arith.muli %add3A_99, %mul3A_100 : i32
      %dma_start3A_102 = arith.constant 768 : i32
      %dma_start3A_103 = arith.constant 0 : i32
      %dma_start3A_104 = tpu.memref_slice %arg7[%dma_start3A_102, %dma_start3A_103] : memref<1280x16xf32, #tpu.memory_space<vmem>> -> memref<128x16xf32, #tpu.memory_space<vmem>>
      %dma_start3A_105 = tpu.memref_slice %arg6[%mul3A_101] : memref<10240xi32, #tpu.memory_space<vmem>> -> memref<128xi32, #tpu.memory_space<vmem>>
      %dma_start3A_106 = arith.constant 0 : i32
      %dma_start3A_107 = arith.constant 0 : i32
      %dma_start3A_108 = tpu.memref_slice %arg3[%dma_start3A_106, %dma_start3A_107] : memref<1000000x16xf32, #tpu.memory_space<hbm>> -> memref<1000000x16xf32, #tpu.memory_space<hbm>>
      tpu.enqueue_indirect_dma source(%dma_start3A_108 : memref<1000000x16xf32, #tpu.memory_space<hbm>>) target(%dma_start3A_104 : memref<128x16xf32, #tpu.memory_space<vmem>>) offsets(%dma_start3A_105 : memref<128xi32, #tpu.memory_space<vmem>>) semaphore(%arg10 : memref<!tpu.dma_semaphore, #tpu.memory_space<semaphore_mem>>)
      %mul3A_109 = arith.constant 10 : i32
      %mul3A_110 = arith.muli %scan3A_10, %mul3A_109 : i32
      %add3A_111 = arith.constant 7 : i32
      %add3A_112 = arith.addi %mul3A_110, %add3A_111 : i32
      %mul3A_113 = arith.constant 128 : i32
      %mul3A_114 = arith.muli %add3A_112, %mul3A_113 : i32
      %dma_start3A_115 = arith.constant 896 : i32
      %dma_start3A_116 = arith.constant 0 : i32
      %dma_start3A_117 = tpu.memref_slice %arg7[%dma_start3A_115, %dma_start3A_116] : memref<1280x16xf32, #tpu.memory_space<vmem>> -> memref<128x16xf32, #tpu.memory_space<vmem>>
      %dma_start3A_118 = tpu.memref_slice %arg6[%mul3A_114] : memref<10240xi32, #tpu.memory_space<vmem>> -> memref<128xi32, #tpu.memory_space<vmem>>
      %dma_start3A_119 = arith.constant 0 : i32
      %dma_start3A_120 = arith.constant 0 : i32
      %dma_start3A_121 = tpu.memref_slice %arg3[%dma_start3A_119, %dma_start3A_120] : memref<1000000x16xf32, #tpu.memory_space<hbm>> -> memref<1000000x16xf32, #tpu.memory_space<hbm>>
      tpu.enqueue_indirect_dma source(%dma_start3A_121 : memref<1000000x16xf32, #tpu.memory_space<hbm>>) target(%dma_start3A_117 : memref<128x16xf32, #tpu.memory_space<vmem>>) offsets(%dma_start3A_118 : memref<128xi32, #tpu.memory_space<vmem>>) semaphore(%arg10 : memref<!tpu.dma_semaphore, #tpu.memory_space<semaphore_mem>>)
      %mul3A_122 = arith.constant 10 : i32
      %mul3A_123 = arith.muli %scan3A_10, %mul3A_122 : i32
      %add3A_124 = arith.constant 8 : i32
      %add3A_125 = arith.addi %mul3A_123, %add3A_124 : i32
      %mul3A_126 = arith.constant 128 : i32
      %mul3A_127 = arith.muli %add3A_125, %mul3A_126 : i32
      %dma_start3A_128 = arith.constant 1024 : i32
      %dma_start3A_129 = arith.constant 0 : i32
      %dma_start3A_130 = tpu.memref_slice %arg7[%dma_start3A_128, %dma_start3A_129] : memref<1280x16xf32, #tpu.memory_space<vmem>> -> memref<128x16xf32, #tpu.memory_space<vmem>>
      %dma_start3A_131 = tpu.memref_slice %arg6[%mul3A_127] : memref<10240xi32, #tpu.memory_space<vmem>> -> memref<128xi32, #tpu.memory_space<vmem>>
      %dma_start3A_132 = arith.constant 0 : i32
      %dma_start3A_133 = arith.constant 0 : i32
      %dma_start3A_134 = tpu.memref_slice %arg3[%dma_start3A_132, %dma_start3A_133] : memref<1000000x16xf32, #tpu.memory_space<hbm>> -> memref<1000000x16xf32, #tpu.memory_space<hbm>>
      tpu.enqueue_indirect_dma source(%dma_start3A_134 : memref<1000000x16xf32, #tpu.memory_space<hbm>>) target(%dma_start3A_130 : memref<128x16xf32, #tpu.memory_space<vmem>>) offsets(%dma_start3A_131 : memref<128xi32, #tpu.memory_space<vmem>>) semaphore(%arg10 : memref<!tpu.dma_semaphore, #tpu.memory_space<semaphore_mem>>)
      %mul3A_135 = arith.constant 10 : i32
      %mul3A_136 = arith.muli %scan3A_10, %mul3A_135 : i32
      %add3A_137 = arith.constant 9 : i32
      %add3A_138 = arith.addi %mul3A_136, %add3A_137 : i32
      %mul3A_139 = arith.constant 128 : i32
      %mul3A_140 = arith.muli %add3A_138, %mul3A_139 : i32
      %dma_start3A_141 = arith.constant 1152 : i32
      %dma_start3A_142 = arith.constant 0 : i32
      %dma_start3A_143 = tpu.memref_slice %arg7[%dma_start3A_141, %dma_start3A_142] : memref<1280x16xf32, #tpu.memory_space<vmem>> -> memref<128x16xf32, #tpu.memory_space<vmem>>
      %dma_start3A_144 = tpu.memref_slice %arg6[%mul3A_140] : memref<10240xi32, #tpu.memory_space<vmem>> -> memref<128xi32, #tpu.memory_space<vmem>>
      %dma_start3A_145 = arith.constant 0 : i32
      %dma_start3A_146 = arith.constant 0 : i32
      %dma_start3A_147 = tpu.memref_slice %arg3[%dma_start3A_145, %dma_start3A_146] : memref<1000000x16xf32, #tpu.memory_space<hbm>> -> memref<1000000x16xf32, #tpu.memory_space<hbm>>
      tpu.enqueue_indirect_dma source(%dma_start3A_147 : memref<1000000x16xf32, #tpu.memory_space<hbm>>) target(%dma_start3A_143 : memref<128x16xf32, #tpu.memory_space<vmem>>) offsets(%dma_start3A_144 : memref<128xi32, #tpu.memory_space<vmem>>) semaphore(%arg10 : memref<!tpu.dma_semaphore, #tpu.memory_space<semaphore_mem>>)
      %dma_wait3A = arith.constant 0 : i32
      %dma_wait3A_148 = arith.constant 0 : i32
      %dma_wait3A_149 = tpu.memref_slice %arg7[%dma_wait3A, %dma_wait3A_148] : memref<1280x16xf32, #tpu.memory_space<vmem>> -> memref<128x16xf32, #tpu.memory_space<vmem>>
      %dma_wait3A_150 = tpu.memref_slice %arg6[%mul3A_24] : memref<10240xi32, #tpu.memory_space<vmem>> -> memref<128xi32, #tpu.memory_space<vmem>>
      %dma_wait3A_151 = arith.constant 0 : i32
      %dma_wait3A_152 = arith.constant 0 : i32
      %dma_wait3A_153 = tpu.memref_slice %arg3[%dma_wait3A_151, %dma_wait3A_152] : memref<1000000x16xf32, #tpu.memory_space<hbm>> -> memref<1000000x16xf32, #tpu.memory_space<hbm>>
      tpu.wait_indirect_dma semaphore(%arg10 : memref<!tpu.dma_semaphore, #tpu.memory_space<semaphore_mem>>) src(%dma_wait3A_153 : memref<1000000x16xf32, #tpu.memory_space<hbm>>) dst(%dma_wait3A_149 : memref<128x16xf32, #tpu.memory_space<vmem>>)
      %dma_wait3A_154 = arith.constant 128 : i32
      %dma_wait3A_155 = arith.constant 0 : i32
      %dma_wait3A_156 = tpu.memref_slice %arg7[%dma_wait3A_154, %dma_wait3A_155] : memref<1280x16xf32, #tpu.memory_space<vmem>> -> memref<128x16xf32, #tpu.memory_space<vmem>>
      %dma_wait3A_157 = tpu.memref_slice %arg6[%mul3A_36] : memref<10240xi32, #tpu.memory_space<vmem>> -> memref<128xi32, #tpu.memory_space<vmem>>
      %dma_wait3A_158 = arith.constant 0 : i32
      %dma_wait3A_159 = arith.constant 0 : i32
      %dma_wait3A_160 = tpu.memref_slice %arg3[%dma_wait3A_158, %dma_wait3A_159] : memref<1000000x16xf32, #tpu.memory_space<hbm>> -> memref<1000000x16xf32, #tpu.memory_space<hbm>>
      tpu.wait_indirect_dma semaphore(%arg10 : memref<!tpu.dma_semaphore, #tpu.memory_space<semaphore_mem>>) src(%dma_wait3A_160 : memref<1000000x16xf32, #tpu.memory_space<hbm>>) dst(%dma_wait3A_156 : memref<128x16xf32, #tpu.memory_space<vmem>>)
      %dma_wait3A_161 = arith.constant 256 : i32
      %dma_wait3A_162 = arith.constant 0 : i32
      %dma_wait3A_163 = tpu.memref_slice %arg7[%dma_wait3A_161, %dma_wait3A_162] : memref<1280x16xf32, #tpu.memory_space<vmem>> -> memref<128x16xf32, #tpu.memory_space<vmem>>
      %dma_wait3A_164 = tpu.memref_slice %arg6[%mul3A_49] : memref<10240xi32, #tpu.memory_space<vmem>> -> memref<128xi32, #tpu.memory_space<vmem>>
      %dma_wait3A_165 = arith.constant 0 : i32
      %dma_wait3A_166 = arith.constant 0 : i32
      %dma_wait3A_167 = tpu.memref_slice %arg3[%dma_wait3A_165, %dma_wait3A_166] : memref<1000000x16xf32, #tpu.memory_space<hbm>> -> memref<1000000x16xf32, #tpu.memory_space<hbm>>
      tpu.wait_indirect_dma semaphore(%arg10 : memref<!tpu.dma_semaphore, #tpu.memory_space<semaphore_mem>>) src(%dma_wait3A_167 : memref<1000000x16xf32, #tpu.memory_space<hbm>>) dst(%dma_wait3A_163 : memref<128x16xf32, #tpu.memory_space<vmem>>)
      %dma_wait3A_168 = arith.constant 384 : i32
      %dma_wait3A_169 = arith.constant 0 : i32
      %dma_wait3A_170 = tpu.memref_slice %arg7[%dma_wait3A_168, %dma_wait3A_169] : memref<1280x16xf32, #tpu.memory_space<vmem>> -> memref<128x16xf32, #tpu.memory_space<vmem>>
      %dma_wait3A_171 = tpu.memref_slice %arg6[%mul3A_62] : memref<10240xi32, #tpu.memory_space<vmem>> -> memref<128xi32, #tpu.memory_space<vmem>>
      %dma_wait3A_172 = arith.constant 0 : i32
      %dma_wait3A_173 = arith.constant 0 : i32
      %dma_wait3A_174 = tpu.memref_slice %arg3[%dma_wait3A_172, %dma_wait3A_173] : memref<1000000x16xf32, #tpu.memory_space<hbm>> -> memref<1000000x16xf32, #tpu.memory_space<hbm>>
      tpu.wait_indirect_dma semaphore(%arg10 : memref<!tpu.dma_semaphore, #tpu.memory_space<semaphore_mem>>) src(%dma_wait3A_174 : memref<1000000x16xf32, #tpu.memory_space<hbm>>) dst(%dma_wait3A_170 : memref<128x16xf32, #tpu.memory_space<vmem>>)
      %dma_wait3A_175 = arith.constant 512 : i32
      %dma_wait3A_176 = arith.constant 0 : i32
      %dma_wait3A_177 = tpu.memref_slice %arg7[%dma_wait3A_175, %dma_wait3A_176] : memref<1280x16xf32, #tpu.memory_space<vmem>> -> memref<128x16xf32, #tpu.memory_space<vmem>>
      %dma_wait3A_178 = tpu.memref_slice %arg6[%mul3A_75] : memref<10240xi32, #tpu.memory_space<vmem>> -> memref<128xi32, #tpu.memory_space<vmem>>
      %dma_wait3A_179 = arith.constant 0 : i32
      %dma_wait3A_180 = arith.constant 0 : i32
      %dma_wait3A_181 = tpu.memref_slice %arg3[%dma_wait3A_179, %dma_wait3A_180] : memref<1000000x16xf32, #tpu.memory_space<hbm>> -> memref<1000000x16xf32, #tpu.memory_space<hbm>>
      tpu.wait_indirect_dma semaphore(%arg10 : memref<!tpu.dma_semaphore, #tpu.memory_space<semaphore_mem>>) src(%dma_wait3A_181 : memref<1000000x16xf32, #tpu.memory_space<hbm>>) dst(%dma_wait3A_177 : memref<128x16xf32, #tpu.memory_space<vmem>>)
      %dma_wait3A_182 = arith.constant 640 : i32
      %dma_wait3A_183 = arith.constant 0 : i32
      %dma_wait3A_184 = tpu.memref_slice %arg7[%dma_wait3A_182, %dma_wait3A_183] : memref<1280x16xf32, #tpu.memory_space<vmem>> -> memref<128x16xf32, #tpu.memory_space<vmem>>
      %dma_wait3A_185 = tpu.memref_slice %arg6[%mul3A_88] : memref<10240xi32, #tpu.memory_space<vmem>> -> memref<128xi32, #tpu.memory_space<vmem>>
      %dma_wait3A_186 = arith.constant 0 : i32
      %dma_wait3A_187 = arith.constant 0 : i32
      %dma_wait3A_188 = tpu.memref_slice %arg3[%dma_wait3A_186, %dma_wait3A_187] : memref<1000000x16xf32, #tpu.memory_space<hbm>> -> memref<1000000x16xf32, #tpu.memory_space<hbm>>
      tpu.wait_indirect_dma semaphore(%arg10 : memref<!tpu.dma_semaphore, #tpu.memory_space<semaphore_mem>>) src(%dma_wait3A_188 : memref<1000000x16xf32, #tpu.memory_space<hbm>>) dst(%dma_wait3A_184 : memref<128x16xf32, #tpu.memory_space<vmem>>)
      %dma_wait3A_189 = arith.constant 768 : i32
      %dma_wait3A_190 = arith.constant 0 : i32
      %dma_wait3A_191 = tpu.memref_slice %arg7[%dma_wait3A_189, %dma_wait3A_190] : memref<1280x16xf32, #tpu.memory_space<vmem>> -> memref<128x16xf32, #tpu.memory_space<vmem>>
      %dma_wait3A_192 = tpu.memref_slice %arg6[%mul3A_101] : memref<10240xi32, #tpu.memory_space<vmem>> -> memref<128xi32, #tpu.memory_space<vmem>>
      %dma_wait3A_193 = arith.constant 0 : i32
      %dma_wait3A_194 = arith.constant 0 : i32
      %dma_wait3A_195 = tpu.memref_slice %arg3[%dma_wait3A_193, %dma_wait3A_194] : memref<1000000x16xf32, #tpu.memory_space<hbm>> -> memref<1000000x16xf32, #tpu.memory_space<hbm>>
      tpu.wait_indirect_dma semaphore(%arg10 : memref<!tpu.dma_semaphore, #tpu.memory_space<semaphore_mem>>) src(%dma_wait3A_195 : memref<1000000x16xf32, #tpu.memory_space<hbm>>) dst(%dma_wait3A_191 : memref<128x16xf32, #tpu.memory_space<vmem>>)
      %dma_wait3A_196 = arith.constant 896 : i32
      %dma_wait3A_197 = arith.constant 0 : i32
      %dma_wait3A_198 = tpu.memref_slice %arg7[%dma_wait3A_196, %dma_wait3A_197] : memref<1280x16xf32, #tpu.memory_space<vmem>> -> memref<128x16xf32, #tpu.memory_space<vmem>>
      %dma_wait3A_199 = tpu.memref_slice %arg6[%mul3A_114] : memref<10240xi32, #tpu.memory_space<vmem>> -> memref<128xi32, #tpu.memory_space<vmem>>
      %dma_wait3A_200 = arith.constant 0 : i32
      %dma_wait3A_201 = arith.constant 0 : i32
      %dma_wait3A_202 = tpu.memref_slice %arg3[%dma_wait3A_200, %dma_wait3A_201] : memref<1000000x16xf32, #tpu.memory_space<hbm>> -> memref<1000000x16xf32, #tpu.memory_space<hbm>>
      tpu.wait_indirect_dma semaphore(%arg10 : memref<!tpu.dma_semaphore, #tpu.memory_space<semaphore_mem>>) src(%dma_wait3A_202 : memref<1000000x16xf32, #tpu.memory_space<hbm>>) dst(%dma_wait3A_198 : memref<128x16xf32, #tpu.memory_space<vmem>>)
      %dma_wait3A_203 = arith.constant 1024 : i32
      %dma_wait3A_204 = arith.constant 0 : i32
      %dma_wait3A_205 = tpu.memref_slice %arg7[%dma_wait3A_203, %dma_wait3A_204] : memref<1280x16xf32, #tpu.memory_space<vmem>> -> memref<128x16xf32, #tpu.memory_space<vmem>>
      %dma_wait3A_206 = tpu.memref_slice %arg6[%mul3A_127] : memref<10240xi32, #tpu.memory_space<vmem>> -> memref<128xi32, #tpu.memory_space<vmem>>
      %dma_wait3A_207 = arith.constant 0 : i32
      %dma_wait3A_208 = arith.constant 0 : i32
      %dma_wait3A_209 = tpu.memref_slice %arg3[%dma_wait3A_207, %dma_wait3A_208] : memref<1000000x16xf32, #tpu.memory_space<hbm>> -> memref<1000000x16xf32, #tpu.memory_space<hbm>>
      tpu.wait_indirect_dma semaphore(%arg10 : memref<!tpu.dma_semaphore, #tpu.memory_space<semaphore_mem>>) src(%dma_wait3A_209 : memref<1000000x16xf32, #tpu.memory_space<hbm>>) dst(%dma_wait3A_205 : memref<128x16xf32, #tpu.memory_space<vmem>>)
      %dma_wait3A_210 = arith.constant 1152 : i32
      %dma_wait3A_211 = arith.constant 0 : i32
      %dma_wait3A_212 = tpu.memref_slice %arg7[%dma_wait3A_210, %dma_wait3A_211] : memref<1280x16xf32, #tpu.memory_space<vmem>> -> memref<128x16xf32, #tpu.memory_space<vmem>>
      %dma_wait3A_213 = tpu.memref_slice %arg6[%mul3A_140] : memref<10240xi32, #tpu.memory_space<vmem>> -> memref<128xi32, #tpu.memory_space<vmem>>
      %dma_wait3A_214 = arith.constant 0 : i32
      %dma_wait3A_215 = arith.constant 0 : i32
      %dma_wait3A_216 = tpu.memref_slice %arg3[%dma_wait3A_214, %dma_wait3A_215] : memref<1000000x16xf32, #tpu.memory_space<hbm>> -> memref<1000000x16xf32, #tpu.memory_space<hbm>>
      tpu.wait_indirect_dma semaphore(%arg10 : memref<!tpu.dma_semaphore, #tpu.memory_space<semaphore_mem>>) src(%dma_wait3A_216 : memref<1000000x16xf32, #tpu.memory_space<hbm>>) dst(%dma_wait3A_212 : memref<128x16xf32, #tpu.memory_space<vmem>>)
      %scan3A_217 = arith.constant 0 : i32
      %scan3A_218 = arith.constant 0 : i32
      %scan3A_219 = arith.constant 64 : i32
      %scan3A_220 = arith.addi %scan3A_218, %scan3A_219 : i32
      %scan3A_221 = arith.constant 1 : i32
      %scan3A_222 = scf.for %scan3A_225 = %scan3A_218 to %scan3A_220 step %scan3A_221 iter_args(%scan3A_226 = %scan3A_217) -> (i32)  : i32 {
        %mul3A_227 = arith.constant 20 : i32
        %mul3A_228 = arith.muli %scan3A_225, %mul3A_227 : i32
        %get3A_229 = arith.index_cast %mul3A_228 : i32 to index
        %get3A_230 = arith.constant 0 : index
        %get3A_231 = tpu.vector_load %arg7[%get3A_229, %get3A_230] {strides = array<i32>} : memref<1280x16xf32, #tpu.memory_space<vmem>>, vector<16xf32>,
        %add3A_232 = arith.constant 1 : i32
        %add3A_233 = arith.addi %mul3A_228, %add3A_232 : i32
        %get3A_234 = arith.index_cast %add3A_233 : i32 to index
        %get3A_235 = arith.constant 0 : index
        %get3A_236 = tpu.vector_load %arg7[%get3A_234, %get3A_235] {strides = array<i32>} : memref<1280x16xf32, #tpu.memory_space<vmem>>, vector<16xf32>,
        %add3A_237 = arith.addf %get3A_231, %get3A_236 : vector<16xf32>
        %add3A_238 = arith.constant 2 : i32
        %add3A_239 = arith.addi %mul3A_228, %add3A_238 : i32
        %get3A_240 = arith.index_cast %add3A_239 : i32 to index
        %get3A_241 = arith.constant 0 : index
        %get3A_242 = tpu.vector_load %arg7[%get3A_240, %get3A_241] {strides = array<i32>} : memref<1280x16xf32, #tpu.memory_space<vmem>>, vector<16xf32>,
        %add3A_243 = arith.addf %add3A_237, %get3A_242 : vector<16xf32>
        %add3A_244 = arith.constant 3 : i32
        %add3A_245 = arith.addi %mul3A_228, %add3A_244 : i32
        %get3A_246 = arith.index_cast %add3A_245 : i32 to index
        %get3A_247 = arith.constant 0 : index
        %get3A_248 = tpu.vector_load %arg7[%get3A_246, %get3A_247] {strides = array<i32>} : memref<1280x16xf32, #tpu.memory_space<vmem>>, vector<16xf32>,
        %add3A_249 = arith.addf %add3A_243, %get3A_248 : vector<16xf32>
        %add3A_250 = arith.constant 4 : i32
        %add3A_251 = arith.addi %mul3A_228, %add3A_250 : i32
        %get3A_252 = arith.index_cast %add3A_251 : i32 to index
        %get3A_253 = arith.constant 0 : index
        %get3A_254 = tpu.vector_load %arg7[%get3A_252, %get3A_253] {strides = array<i32>} : memref<1280x16xf32, #tpu.memory_space<vmem>>, vector<16xf32>,
        %add3A_255 = arith.addf %add3A_249, %get3A_254 : vector<16xf32>
        %add3A_256 = arith.constant 5 : i32
        %add3A_257 = arith.addi %mul3A_228, %add3A_256 : i32
        %get3A_258 = arith.index_cast %add3A_257 : i32 to index
        %get3A_259 = arith.constant 0 : index
        %get3A_260 = tpu.vector_load %arg7[%get3A_258, %get3A_259] {strides = array<i32>} : memref<1280x16xf32, #tpu.memory_space<vmem>>, vector<16xf32>,
        %add3A_261 = arith.addf %add3A_255, %get3A_260 : vector<16xf32>
        %add3A_262 = arith.constant 6 : i32
        %add3A_263 = arith.addi %mul3A_228, %add3A_262 : i32
        %get3A_264 = arith.index_cast %add3A_263 : i32 to index
        %get3A_265 = arith.constant 0 : index
        %get3A_266 = tpu.vector_load %arg7[%get3A_264, %get3A_265] {strides = array<i32>} : memref<1280x16xf32, #tpu.memory_space<vmem>>, vector<16xf32>,
        %add3A_267 = arith.addf %add3A_261, %get3A_266 : vector<16xf32>
        %add3A_268 = arith.constant 7 : i32
        %add3A_269 = arith.addi %mul3A_228, %add3A_268 : i32
        %get3A_270 = arith.index_cast %add3A_269 : i32 to index
        %get3A_271 = arith.constant 0 : index
        %get3A_272 = tpu.vector_load %arg7[%get3A_270, %get3A_271] {strides = array<i32>} : memref<1280x16xf32, #tpu.memory_space<vmem>>, vector<16xf32>,
        %add3A_273 = arith.addf %add3A_267, %get3A_272 : vector<16xf32>
        %add3A_274 = arith.constant 8 : i32
        %add3A_275 = arith.addi %mul3A_228, %add3A_274 : i32
        %get3A_276 = arith.index_cast %add3A_275 : i32 to index
        %get3A_277 = arith.constant 0 : index
        %get3A_278 = tpu.vector_load %arg7[%get3A_276, %get3A_277] {strides = array<i32>} : memref<1280x16xf32, #tpu.memory_space<vmem>>, vector<16xf32>,
        %add3A_279 = arith.addf %add3A_273, %get3A_278 : vector<16xf32>
        %add3A_280 = arith.constant 9 : i32
        %add3A_281 = arith.addi %mul3A_228, %add3A_280 : i32
        %get3A_282 = arith.index_cast %add3A_281 : i32 to index
        %get3A_283 = arith.constant 0 : index
        %get3A_284 = tpu.vector_load %arg7[%get3A_282, %get3A_283] {strides = array<i32>} : memref<1280x16xf32, #tpu.memory_space<vmem>>, vector<16xf32>,
        %add3A_285 = arith.addf %add3A_279, %get3A_284 : vector<16xf32>
        %add3A_286 = arith.constant 10 : i32
        %add3A_287 = arith.addi %mul3A_228, %add3A_286 : i32
        %get3A_288 = arith.index_cast %add3A_287 : i32 to index
        %get3A_289 = arith.constant 0 : index
        %get3A_290 = tpu.vector_load %arg7[%get3A_288, %get3A_289] {strides = array<i32>} : memref<1280x16xf32, #tpu.memory_space<vmem>>, vector<16xf32>,
        %add3A_291 = arith.addf %add3A_285, %get3A_290 : vector<16xf32>
        %add3A_292 = arith.constant 11 : i32
        %add3A_293 = arith.addi %mul3A_228, %add3A_292 : i32
        %get3A_294 = arith.index_cast %add3A_293 : i32 to index
        %get3A_295 = arith.constant 0 : index
        %get3A_296 = tpu.vector_load %arg7[%get3A_294, %get3A_295] {strides = array<i32>} : memref<1280x16xf32, #tpu.memory_space<vmem>>, vector<16xf32>,
        %add3A_297 = arith.addf %add3A_291, %get3A_296 : vector<16xf32>
        %add3A_298 = arith.constant 12 : i32
        %add3A_299 = arith.addi %mul3A_228, %add3A_298 : i32
        %get3A_300 = arith.index_cast %add3A_299 : i32 to index
        %get3A_301 = arith.constant 0 : index
        %get3A_302 = tpu.vector_load %arg7[%get3A_300, %get3A_301] {strides = array<i32>} : memref<1280x16xf32, #tpu.memory_space<vmem>>, vector<16xf32>,
        %add3A_303 = arith.addf %add3A_297, %get3A_302 : vector<16xf32>
        %add3A_304 = arith.constant 13 : i32
        %add3A_305 = arith.addi %mul3A_228, %add3A_304 : i32
        %get3A_306 = arith.index_cast %add3A_305 : i32 to index
        %get3A_307 = arith.constant 0 : index
        %get3A_308 = tpu.vector_load %arg7[%get3A_306, %get3A_307] {strides = array<i32>} : memref<1280x16xf32, #tpu.memory_space<vmem>>, vector<16xf32>,
        %add3A_309 = arith.addf %add3A_303, %get3A_308 : vector<16xf32>
        %add3A_310 = arith.constant 14 : i32
        %add3A_311 = arith.addi %mul3A_228, %add3A_310 : i32
        %get3A_312 = arith.index_cast %add3A_311 : i32 to index
        %get3A_313 = arith.constant 0 : index
        %get3A_314 = tpu.vector_load %arg7[%get3A_312, %get3A_313] {strides = array<i32>} : memref<1280x16xf32, #tpu.memory_space<vmem>>, vector<16xf32>,
        %add3A_315 = arith.addf %add3A_309, %get3A_314 : vector<16xf32>
        %add3A_316 = arith.constant 15 : i32
        %add3A_317 = arith.addi %mul3A_228, %add3A_316 : i32
        %get3A_318 = arith.index_cast %add3A_317 : i32 to index
        %get3A_319 = arith.constant 0 : index
        %get3A_320 = tpu.vector_load %arg7[%get3A_318, %get3A_319] {strides = array<i32>} : memref<1280x16xf32, #tpu.memory_space<vmem>>, vector<16xf32>,
        %add3A_321 = arith.addf %add3A_315, %get3A_320 : vector<16xf32>
        %add3A_322 = arith.constant 16 : i32
        %add3A_323 = arith.addi %mul3A_228, %add3A_322 : i32
        %get3A_324 = arith.index_cast %add3A_323 : i32 to index
        %get3A_325 = arith.constant 0 : index
        %get3A_326 = tpu.vector_load %arg7[%get3A_324, %get3A_325] {strides = array<i32>} : memref<1280x16xf32, #tpu.memory_space<vmem>>, vector<16xf32>,
        %add3A_327 = arith.addf %add3A_321, %get3A_326 : vector<16xf32>
        %add3A_328 = arith.constant 17 : i32
        %add3A_329 = arith.addi %mul3A_228, %add3A_328 : i32
        %get3A_330 = arith.index_cast %add3A_329 : i32 to index
        %get3A_331 = arith.constant 0 : index
        %get3A_332 = tpu.vector_load %arg7[%get3A_330, %get3A_331] {strides = array<i32>} : memref<1280x16xf32, #tpu.memory_space<vmem>>, vector<16xf32>,
        %add3A_333 = arith.addf %add3A_327, %get3A_332 : vector<16xf32>
        %add3A_334 = arith.constant 18 : i32
        %add3A_335 = arith.addi %mul3A_228, %add3A_334 : i32
        %get3A_336 = arith.index_cast %add3A_335 : i32 to index
        %get3A_337 = arith.constant 0 : index
        %get3A_338 = tpu.vector_load %arg7[%get3A_336, %get3A_337] {strides = array<i32>} : memref<1280x16xf32, #tpu.memory_space<vmem>>, vector<16xf32>,
        %add3A_339 = arith.addf %add3A_333, %get3A_338 : vector<16xf32>
        %add3A_340 = arith.constant 19 : i32
        %add3A_341 = arith.addi %mul3A_228, %add3A_340 : i32
        %get3A_342 = arith.index_cast %add3A_341 : i32 to index
        %get3A_343 = arith.constant 0 : index
        %get3A_344 = tpu.vector_load %arg7[%get3A_342, %get3A_343] {strides = array<i32>} : memref<1280x16xf32, #tpu.memory_space<vmem>>, vector<16xf32>,
        %add3A_345 = arith.addf %add3A_339, %get3A_344 : vector<16xf32>
        %div3A = arith.divf %add3A_345, %get3A_1 : vector<16xf32>
        %max3A = arith.constant -8.000000e+00 : f32
        %max3A_346 = vector.broadcast %max3A : f32 to vector<16xf32>
        %max3A_347 = arith.maximumf %div3A, %max3A_346 : vector<16xf32>
        %min3A = arith.constant 7.000000e+00 : f32
        %min3A_348 = vector.broadcast %min3A : f32 to vector<16xf32>
        %min3A_349 = arith.minimumf %max3A_347, %min3A_348 : vector<16xf32>
        %add3A_350 = arith.constant 0x4B400000 : f32
        %add3A_351 = vector.broadcast %add3A_350 : f32 to vector<16xf32>
        %add3A_352 = arith.addf %min3A_349, %add3A_351 : vector<16xf32>
        %sub3A = arith.constant 0x4B400000 : f32
        %sub3A_353 = vector.broadcast %sub3A : f32 to vector<16xf32>
        %sub3A_354 = arith.subf %add3A_352, %sub3A_353 : vector<16xf32>
        %mul3A_355 = arith.mulf %sub3A_354, %get3A_1 : vector<16xf32>
        %mul3A_356 = arith.constant 16 : i32
        %mul3A_357 = arith.muli %scan3A_225, %mul3A_356 : i32
        %swap3A = arith.index_cast %mul3A_357 : i32 to index
        %swap3A_358 = tpu.vector_load %arg8[%swap3A] {strides = array<i32>} : memref<1024xf32, #tpu.memory_space<vmem>>, vector<16xf32>,
        tpu.vector_store %arg8[%swap3A], %mul3A_355 {strides = array<i32>} : memref<1024xf32, #tpu.memory_space<vmem>>, vector<16xf32>,
        %scan3A_359 = arith.constant 0 : i32
        scf.yield %scan3A_359 : i32
      }
      %scan3A_223 = arith.constant 64 : i32
      "tpu.region"() ({
        %run_scoped3A = tpu.sem_alloc : memref<!tpu.dma_semaphore, #tpu.memory_space<semaphore_mem>>
        %dma_start3A_225 = tpu.memref_slice %arg5[%mul3A_18] : memref<262144xf32, #tpu.memory_space<hbm>> -> memref<1024xf32, #tpu.memory_space<hbm>>
        %dma_start3A_226 = tpu.memref_slice %arg5[%mul3A_18] : memref<262144xf32, #tpu.memory_space<hbm>> -> memref<1024xf32, #tpu.memory_space<hbm>>
        tpu.enqueue_dma source(%arg8 : memref<1024xf32, #tpu.memory_space<vmem>>) target(%dma_start3A_226 : memref<1024xf32, #tpu.memory_space<hbm>>) target_semaphore(%run_scoped3A : memref<!tpu.dma_semaphore, #tpu.memory_space<semaphore_mem>>)
        %dma_wait3A_227 = tpu.memref_slice %arg5[%mul3A_18] : memref<262144xf32, #tpu.memory_space<hbm>> -> memref<1024xf32, #tpu.memory_space<hbm>>
        %dma_wait3A_228 = tpu.memref_slice %arg5[%mul3A_18] : memref<262144xf32, #tpu.memory_space<hbm>> -> memref<1024xf32, #tpu.memory_space<hbm>>
        tpu.wait_dma2 semaphore(%run_scoped3A : memref<!tpu.dma_semaphore, #tpu.memory_space<semaphore_mem>>) src(%arg8 : memref<1024xf32, #tpu.memory_space<vmem>>) dst(%dma_wait3A_228 : memref<1024xf32, #tpu.memory_space<hbm>>)
        tpu.yield
      }) : () -> ()
      %scan3A_224 = arith.constant 0 : i32
      scf.yield %scan3A_224 : i32
    }
    %scan3A_9 = arith.constant 8 : i32
    return
  }
}

</mosaic_0001>

<sc_bundles>
// kernel: kernel.4.cloned.1.call-start
scs
__scs_entry_jumppad:
0x0: {  	(pc) =	sbr.rel $0x88, $3  }
0x1: {  	(tag) =	ssettag $0x0;
	lr =	simm.s32 $0x1  }
0x2: {  	[smem:$0x3F9E] =	sst lr;
	_ =	strace $0xD0000000  }
0x3: {  	_ = 	snop  }
0x4: {  	_ = 	snop  }
0x5: {  	_ = 	snop  }
0x6: {  	_ = 	snop  }
0x7: {  	_ = 	snop  }
__scs_overlays_trampoline_lowered:
0x8: {  	[smem:$0x3FAD] =	sst s0  }
0x9: {  	[smem:$0x3FAE] =	sst s1  }
0xa: {  	[smem:$0x3FAF] =	sst s2  }
0xb: {  	[smem:$0x3FB0] =	sst s3  }
0xc: {  	[smem:$0x3FB1] =	sst s4  }
0xd: {  	[smem:$0x3FB2] =	sst s5  }
0xe: {  	[smem:$0x3FB3] =	sst s6  }
0xf: {  	[smem:$0x3FB4] =	sst s7  }
0x10: {  	[smem:$0x3FB5] =	sst s8  }
0x11: {  	[smem:$0x3FB6] =	sst s9;
	s0 =	simm.s32 @!p0 $0x0  }
0x12: {  	s1 =	sld [smem:$0x3F9C];
	s0 =	simm.s32 @p0 $0x1  }
0x13: {  	[smem:$0x3FB7] =	sst s0;
	s0 =	simm.s32 @!p1 $0x0  }
0x14: {  	s2 =	sld [smem:$0x3F9B];
	s0 =	simm.s32 @p1 $0x1  }
0x15: {  	[smem:$0x3FB8] =	sst s0;
	s0 =	simm.s32 @!p2 $0x0  }
0x16: {  	s3 =	sld [smem:$0x3FDB];
	s0 =	simm.s32 @p2 $0x1  }
0x17: {  	s4 =	simm.s32 $0x1BF5;
	[smem:$0x3FBA] =	sst s0  }
0x18: {  	s0 =	sld [smem:$0x3F9D];
	_ =	swait.ge [sflag:s4], $0x0  }
0x19: {  	s7 =	sld [smem:$0x3F9E]  }
0x1a: {  	s8 =	sadd.s32 $0xFFFFE003, lr  }
0x1b: {  	s9 =	sadd.s32 $0xFFFFFEF7, lr;
	s5 =	simm.s32 $0xFFFFFFFF;
	p2 =	slt.u32 s8, $0xFFFFF086  }
0x1c: {  	p1 =	slt.u32 s9, $0xF7A;
	s5 =	simm.s32 @!p2 $0x0  }
0x1d: {  	s5 =	simm.s32 @p1 $0x1;
	p0 =	seq.s32 s7, s2  }
0x1e: {  	s7 =	smul.u32 @!p0 $0xF7A, s2;
	p2 =	seq.s32 @!p0 s5, $0x0  }
0x1f: {  	s9 =	smul.u32 $0xF7A, s1;
	s8 =	simm.s32 @!p0 $0x1BF5;
	p2 =	por !p2, p0  }
0x20: {  	[sflag:s8] =	ssyncset.s32 @!p0 $0xFFFFF086;
	s6 =	sadd.s32 @!p0 s3, s7;
	s7 =	simm.s32 @!p0 $0x108  }
0x21: {  	s3 =	sadd.s32 s3, s9;
	s6 =	sadd.s32 @!p0 $0x88, s6;
	s7 =	simm.s32 @p2 $0x1082  }
0x22: {  	[simem:s7], [sflag:s8] =	dma.local @!p0 [hbm:s6], $0xF7A  }
0x23: {  	s9 =	sor.u32 $0xD0000000, s2;
	s6 =	simm.s32 $0x108;
	_ =	swait.ge @!p0 [sflag:s8], $0x0  }
0x24: {  	s3 =	sadd.s32 $0x88, s3;
	s6 =	simm.s32 @!p1 $0x1082;
	[sflag:s4] =	ssyncset.s32 $0xFFFFF086  }
0x25: {  	[simem:s6], [sflag:s4] =	dma.local [hbm:s3], $0xF7A  }
0x26: {  	[smem:$0x3F9E] =	sst s1;
	(tag) =	ssettag s2;
	_ =	strace s9  }
0x27: {  	s1 =	sld [smem:$0x3FAE]  }
0x28: {  	s2 =	sld [smem:$0x3FAF]  }
0x29: {  	s4 =	sld [smem:$0x3FB1]  }
0x2a: {  	p0 =	seq.s32 s5, $0x0;
	s5 =	sld [smem:$0x3FB2]  }
0x2b: {  	s6 =	sld [smem:$0x3FB3]  }
0x2c: {  	s7 =	sld [smem:$0x3FB4]  }
0x2d: {  	s3 =	simm.s32 $0x108;
	s8 =	sld [smem:$0x3FB5]  }
0x2e: {  	s3 =	simm.s32 @!p0 $0x1082;
	s9 =	sld [smem:$0x3FB6]  }
0x2f: {  	lr =	sadd.s32 s0, s3;
	s0 =	sld [smem:$0x3FAD]  }
0x30: {  	s3 =	sld [smem:$0x3FB0]  }
0x31: {  	[smem:$0x3FB9] =	sst s10  }
0x32: {  	s10 =	sld [smem:$0x3FB7];
	_ =	sdelay $0x3  }
0x33: {  	p0 =	seq.s32 s10, $0x1;
	s10 =	sld [smem:$0x3FB9];
	_ =	sdelay $0x3  }
0x34: {  	[smem:$0x3FB9] =	sst s10  }
0x35: {  	s10 =	sld [smem:$0x3FB8];
	_ =	sdelay $0x3  }
0x36: {  	p1 =	seq.s32 s10, $0x1;
	s10 =	sld [smem:$0x3FB9];
	_ =	sdelay $0x3  }
0x37: {  	[smem:$0x3FB9] =	sst s10  }
0x38: {  	s10 =	sld [smem:$0x3FBA]  }
0x39: {  	_ = 	snop;
	(pc) =	sbr.ind lr, $3  }
0x3a: {  	_ = 	snop  }
0x3b: {  	_ = 	snop  }
0x3c: {  	p2 =	seq.s32 s10, $0x1;
	s10 =	sld [smem:$0x3FB9]  }
0x3d: {  	_ =	shalt  }
0x3e: {  	_ =	shalt  }
0x3f: {  	_ =	shalt  }
0x40: {  	_ =	shalt  }
0x41: {  	_ =	shalt  }
0x42: {  	_ =	shalt  }
0x43: {  	_ =	shalt  }
0x44: {  	_ =	shalt  }
0x45: {  	_ =	shalt  }
0x46: {  	_ =	shalt  }
0x47: {  	_ =	shalt  }
0x48: {  	_ =	shalt  }
0x49: {  	_ =	shalt  }
0x4a: {  	_ =	shalt  }
0x4b: {  	_ =	shalt  }
0x4c: {  	_ =	shalt  }
0x4d: {  	_ =	shalt  }
0x4e: {  	_ =	shalt  }
0x4f: {  	_ =	shalt  }
0x50: {  	_ =	shalt  }
0x51: {  	_ =	shalt  }
0x52: {  	_ =	shalt  }
0x53: {  	_ =	shalt  }
0x54: {  	_ =	shalt  }
0x55: {  	_ =	shalt  }
0x56: {  	_ =	shalt  }
0x57: {  	_ =	shalt  }
0x58: {  	_ =	shalt  }
0x59: {  	_ =	shalt  }
0x5a: {  	_ =	shalt  }
0x5b: {  	_ =	shalt  }
0x5c: {  	_ =	shalt  }
0x5d: {  	_ =	shalt  }
0x5e: {  	_ =	shalt  }
0x5f: {  	_ =	shalt  }
0x60: {  	_ =	shalt  }
0x61: {  	_ =	shalt  }
0x62: {  	_ =	shalt  }
0x63: {  	_ =	shalt  }
0x64: {  	_ =	shalt  }
0x65: {  	_ =	shalt  }
0x66: {  	_ =	shalt  }
0x67: {  	_ =	shalt  }
0x68: {  	_ =	shalt  }
0x69: {  	_ =	shalt  }
0x6a: {  	_ =	shalt  }
0x6b: {  	_ =	shalt  }
0x6c: {  	_ =	shalt  }
0x6d: {  	_ =	shalt  }
0x6e: {  	_ =	shalt  }
0x6f: {  	_ =	shalt  }
0x70: {  	_ =	shalt  }
0x71: {  	_ =	shalt  }
0x72: {  	_ =	shalt  }
0x73: {  	_ =	shalt  }
0x74: {  	_ =	shalt  }
0x75: {  	_ =	shalt  }
0x76: {  	_ =	shalt  }
0x77: {  	_ =	shalt  }
0x78: {  	_ =	shalt  }
0x79: {  	_ =	shalt  }
0x7a: {  	_ =	shalt  }
0x7b: {  	_ =	shalt  }
0x7c: {  	_ =	shalt  }
0x7d: {  	_ =	shalt  }
0x7e: {  	_ =	shalt  }
0x7f: {  	_ =	shalt  }
0x80: {  	_ =	shalt  }
0x81: {  	_ =	shalt  }
0x82: {  	_ =	shalt  }
0x83: {  	_ =	shalt  }
0x84: {  	_ =	shalt  }
0x85: {  	_ =	shalt  }
0x86: {  	_ =	shalt  }
0x87: {  	_ =	shalt  }
.Lfunc_end0:
.L_simem_size_0:
called_computation_lowered:
.L_overlay_start_0:
0x88: {  	s2 =	sld [smem:$0x3FD9]  }
0x89: {  	s3 =	sld [smem:$0x3FFE];
	_ =	sdelay $0x1  }
0x8a: {  	s1 =	srdreg.scid  }
0x8b: {  	s0 =	sand.u32 $0x1, s1  }
0x8c: {  	s17 =	sshll.u32 s0, $0xA;
	s2 =	sadd.s32 s3, s2  }
0x8d: {  	s2 =	sadd.s32 s2, s17  }
0x8e: {  	[smem:$0x3FC5] =	sst s2  }
0x8f: {  	_ = 	snop  }
0x90: {  	s2 =	sld [smem:$0x3FC8]  }
0x91: {  	s18 =	sld [smem:$0x3FD0];
	(tm) =	ssettm $0x1  }
0x92: {  	s4 =	sld [smem:$0x3FFB];
	_ =	sdelay $0x3  }
0x93: {  	_ =	strace s4  }
0x94: {  	s4 =	sld [smem:$0x3FFC];
	_ =	sdelay $0x3  }
0x95: {  	_ =	strace s4  }
0x96: {  	s4 =	sld [smem:$0x3FFD];
	_ =	sdelay $0x3  }
0x97: {  	_ =	strace s4  }
0x98: {  	_ =	strace $0x8FFFFFFF  }
0x99: {  	s19 =	sld [smem:$0x3FDB];
	_ =	sdelay $0x1  }
0x9a: {  	s5 =	simm.s32 $_scs_section_size  }
0x9b: {  	s6 =	simm.s32 $_size__tile_overlayer_lowered;
	s7 =	simm.s32 $_tile_overlayer_lowered  }
0x9c: {  	s22 =	simm.s32 $0x1BFF;
	s21 =	sshll.u32 s7, $0x1;
	s4 =	sadd.s32 s5, s19  }
0x9d: {  	s8 =	simm.s32 $0x0;
	s20 =	sshll.u32 s6, $0x1;
	s6 =	sadd.s32 s21, s4  }
0x9e: {  	[timem:s8], [sflag:s22] =	dma.local [hbm:s6], s20  }
0x9f: {  	_ =	swait.ge [sflag:s22], s20  }
0xa0: {  	s5 =	ssub.s32 $0x0, s20;
	[sflag:s22] =	ssyncset.done $0x0  }
0xa1: {  	[sflag:s22] =	ssyncadd.s32 s5;
	_ =	sdelay $0x1  }
0xa2: {  	s23 =	simm.s32 $0x1B8B  }
0xa3: {  	_ =	swait.ge [sflag:s23], $0x1  }
0xa4: {  	[sflag:s23] =	ssyncset.done $0x0  }
0xa5: {  	s25 =	simm.s32 $0x1B8E;
	s24 =	sld [smem:$0x3FFE];
	[sflag:s23] =	ssyncadd.s32 $0xFFFFFFFF  }
0xa6: {  	s26 =	simm.s32 $execute0_lowered;
	[smem:$0x3FD2] =	sst s25  }
0xa7: {  	s6 =	sshll.u32 s26, $0x1;
	_ =	strace $0x80000046;
	[dreg:$0x1] =	wrdreg $0xFFFFFFFF  }
0xa8: {  	s28 =	simm.s32 $_size_execute0_lowered;
	s4 =	sadd.s32 s4, s6;
	[dreg:$0x0] =	wrdreg $0x0  }
0xa9: {  	s6 =	sshll.u32 s28, $0x1;
	[dreg:$0x2] =	wrdreg s4  }
0xaa: {  	[dreg:$0x3] =	wrdreg s6  }
0xab: {  	[dreg:$0x4] =	wrdreg $0xC0  }
0xac: {  	_ =	task [dreg:s8], $0x5FFFF  }
0xad: {  	[dreg:$0x1] =	wrdreg $0xFFFFFFFF  }
0xae: {  	[dreg:$0x0] =	wrdreg $0x60  }
0xaf: {  	[dreg:$0x2] =	wrdreg s2  }
0xb0: {  	[dreg:$0x3] =	wrdreg s18  }
0xb1: {  	[dreg:$0x4] =	wrdreg s24  }
0xb2: {  	[dreg:$0x5] =	wrdreg $0x9  }
0xb3: {  	_ =	task.clear_ibuf [dreg:s8], $0x6FFFF;
	_ =	strace $0x90000046  }
0xb4: {  	s29 =	simm.s32 $0x9;
	_ =	strace $0x80000048  }
0xb5: {  	_ =	swait.ge [sflag:s29], $0x1  }
0xb6: {  	[sflag:s29] =	ssyncadd.s32 $0xFFFFFFFF  }
0xb7: {  	_ =	strace $0x90000048  }
0xb8: {  	_ =	sfence  }
0xb9: {  	s30 =	sld [smem:$0x0];
	_ =	sdelay $0x2  }
0xba: {  	s31 =	sshll.u32 s1, $0xD;
	s1 =	sshrl.u32 s1, $0x2  }
0xbb: {  	s3 =	sand.u32 $0x4000, s31;
	s1 =	sadd.s32 s1, s30  }
0xbc: {  	s0 =	sor.u32 s3, s0;
	s1 =	sshll.u32 s1, $0x11  }
0xbd: {  	s0 =	sor.u32 s1, s0  }
0xbe: {  	s0 =	sadd.s32 $0x8F2B, s0  }
0xbf: {  	[sflag:s0] =	ssyncadd.remote.s32 $0x1  }
0xc0: {  	_ =	sfence.sel $0xFFFF  }
0xc1: {  	[dreg:$0x0] =	wrdreg $0xFFFFFFFF;
	(pc) =	sbr.abs _section_cstart, $3  }
0xc2: {  	[dreg:$0x1] =	wrdreg $0xFFFFFFFF  }
0xc3: {  	_ =	task.clear_ibuf [dreg:s8], $0x2FFFF;
	_ =	strace $0x9FFFFFFF  }
0xc4: {  	(tm) =	ssettm $0x7FFFFFFF  }
0xc5: {  	_ =	shalt  }
tec
execute0_lowered:
.L_overlay_start_1:
0x0: {  	(tag) =	ssettag $0x1  }
0x1: {  	vm13 =	vcmask $0x300;
	v0 =	vimm.s32 $0x4380  }
0x2: {  	vm14 =	vcmask $0x704;
	vm12 =	vcmask $0xB08;
	vm11 =	vcmask $0xF0C  }
0x3: {  	vm10 =	vcmask $0x1310;
	vm9 =	vcmask $0x1714;
	vm8 =	vcmask $0x1B18  }
0x4: {  	v1 =	vimm.s32 $0x0;
	vm7 =	vcmask $0x1F1C;
	vm6 =	vcmask $0x2320  }
0x5: {  	vm5 =	vcmask $0x2724;
	vm4 =	vcmask $0x2B28;
	vm2 =	vcmask $0x2F2C  }
0x6: {  	vm1 =	vcmask $0x3330;
	v2 =	vimm.s32 $0x80;
	vm0 =	vcmask $0x3734  }
0x7: {  	vm3 =	vcmask $0x3B38;
	v4 =	vimm.s32 $0xFEDCBA9;
	v6 =	vimm.s32 $0x100  }
0x8: {  	v9 =	vimm.s32 $0xA9876543;
	v11 =	vimm.s32 $0xBA987654;
	v13 =	vimm.s32 $0x300  }
0x9: {  	v15 =	vimm.s32 $0xDCBA9876;
	v25 =	vimm.s32 $0xEDCBA987;
	v28 =	vimm.s32 $0x4000  }
0xa: {  	v32 =	vimm.s32 $0x76543210;
	v0 =	vsel vm13, $0x0, v0;
	v1 =	vsel vm13, $0x80, v1  }
0xb: {  	v2 =	vsel vm13, $0x100, v2;
	v6 =	vsel vm13, $0x180, v6;
	v9 =	vunpack.c.l.s4.s8 v9  }
0xc: {  	v11 =	vunpack.c.l.s4.s8 v11;
	v13 =	vsel vm13, $0x380, v13;
	v15 =	vunpack.c.l.s4.s8 v15  }
0xd: {  	v25 =	vunpack.c.l.s4.s8 v25;
	v32 =	vunpack.c.l.s4.s8 v32;
	v1 =	vsel vm14, $0x100, v1  }
0xe: {  	v0 =	vsel vm14, $0x80, v0;
	v2 =	vsel vm14, $0x180, v2;
	v1 =	vsel vm12, $0x180, v1  }
0xf: {  	v13 =	vsel vm14, $0x4000, v13;
	v0 =	vsel vm12, $0x100, v0;
	v1 =	vsel vm11, $0x200, v1  }
0x10: {  	v2 =	vsel vm12, $0x200, v2;
	v0 =	vsel vm11, $0x180, v0;
	v1 =	vsel vm10, $0x280, v1  }
0x11: {  	v22 =	vunpack.c.0.s8.s32 v9;
	v0 =	vsel vm10, $0x200, v0;
	v1 =	vsel vm9, $0x300, v1  }
0x12: {  	v24 =	vunpack.c.0.s8.s32 v11;
	v0 =	vsel vm9, $0x280, v0;
	v1 =	vsel vm8, $0x380, v1  }
0x13: {  	v31 =	vunpack.c.0.s8.s32 v15;
	v0 =	vsel vm8, $0x300, v0;
	v1 =	vsel vm7, $0x4000, v1  }
0x14: {  	v32 =	vunpack.c.0.s8.s32 v32;
	v0 =	vsel vm7, $0x380, v0;
	v1 =	vsel vm6, $0x4080, v1  }
0x15: {  	v2 =	vsel vm11, $0x280, v2;
	v0 =	vsel vm6, $0x4000, v0;
	v1 =	vsel vm5, $0x4100, v1  }
0x16: {  	v2 =	vsel vm10, $0x300, v2;
	v0 =	vsel vm5, $0x4080, v0;
	v1 =	vsel vm4, $0x4180, v1  }
0x17: {  	v2 =	vsel vm9, $0x380, v2;
	v0 =	vsel vm4, $0x4100, v0;
	v3 =	vsel vm2, $0x4200, v1  }
0x18: {  	v5 =	vsel vm8, $0x4000, v2;
	v0 =	vsel vm2, $0x4180, v0;
	v3 =	vsel vm1, $0x4280, v3  }
0x19: {  	v1 =	vlaneseq.u32;
	v0 =	vsel vm1, $0x4200, v0;
	v3 =	vsel vm0, $0x4300, v3  }
0x1a: {  	v2 =	vsel vm3, $0x4380, v3;
	v3 =	vunpack.c.l.s4.s8 v4;
	v4 =	vsel vm7, $0x4080, v5  }
0x1b: {  	v0 =	vsel vm0, $0x4280, v0;
	v5 =	vimm.s32 $0x87654321;
	v4 =	vsel vm6, $0x4100, v4  }
0x1c: {  	v0 =	vsel vm3, $0x4300, v0;
	v5 =	vunpack.c.l.s4.s8 v5;
	v4 =	vsel vm5, $0x4180, v4  }
0x1d: {  	v17 =	vunpack.c.0.s8.s32 v3;
	v3 =	vsel vm4, $0x4200, v4;
	v4 =	vsel vm14, $0x200, v6  }
0x1e: {  	v18 =	vunpack.c.0.s8.s32 v5;
	v5 =	vimm.s32 $0x10FEDCBA;
	v6 =	vimm.s32 $0x98765432  }
0x1f: {  	v3 =	vsel vm2, $0x4280, v3;
	v4 =	vsel vm12, $0x280, v4;
	v5 =	vunpack.c.l.s4.s8 v5  }
0x20: {  	v6 =	vunpack.c.l.s4.s8 v6;
	v4 =	vsel vm11, $0x300, v4;
	v7 =	vcombine.low v18, v17  }
0x21: {  	v8 =	vsel vm1, $0x4300, v3;
	v56 =	vcombine.low v17, v18;
	v18 =	vimm.s32 $0x4080  }
0x22: {  	v4 =	vsel vm10, $0x380, v4;
	v19 =	vunpack.c.0.s8.s32 v5;
	v20 =	vunpack.c.0.s8.s32 v6  }
0x23: {  	v5 =	vsel vm0, $0x4380, v8;
	v8 =	vimm.s32 $0x180;
	v18 =	vsel vm13, $0x4100, v18  }
0x24: {  	v3 =	vsel vm9, $0x4000, v4;
	v8 =	vsel vm13, $0x200, v8;
	v57 =	vsel vm14, $0x4180, v18  }
0x25: {  	v4 =	vsel vm8, $0x4080, v3;
	v3 =	vand.u32 $0xF, v7;
	v6 =	vcombine.low v20, v19  }
0x26: {  	v34 =	vcombine.low v19, v20;
	v20 =	vsel vm12, $0x4200, v57;
	v4 =	vsel vm7, $0x4100, v4  }
0x27: {  	v19 =	vimm.s32 $0x4100;
	v20 =	vsel vm11, $0x4280, v20;
	v7 =	vsel vm6, $0x4180, v4  }
0x28: {  	v4 =	vsel vm3, $0x0, v5;
	v20 =	vsel vm10, $0x4300, v20;
	v7 =	vsel vm5, $0x4200, v7  }
0x29: {  	v5 =	vand.u32 $0xF, v6;
	v20 =	vsel vm9, $0x4380, v20;
	v6 =	vsel vm4, $0x4280, v7  }
0x2a: {  	v7 =	vsel vm14, $0x280, v8;
	v8 =	vimm.s32 $0x210FEDCB;
	v20 =	vsel vm8, $0x0, v20  }
0x2b: {  	v6 =	vsel vm2, $0x4300, v6;
	v7 =	vsel vm12, $0x300, v7;
	v8 =	vunpack.c.l.s4.s8 v8  }
0x2c: {  	v20 =	vsel vm7, $0x80, v20;
	v7 =	vsel vm11, $0x380, v7;
	v6 =	vsel vm1, $0x4380, v6  }
0x2d: {  	v20 =	vsel vm6, $0x100, v20;
	v7 =	vsel vm10, $0x4000, v7;
	v21 =	vunpack.c.0.s8.s32 v8  }
0x2e: {  	v8 =	vimm.s32 $0x200;
	v6 =	vsel vm0, $0x0, v6;
	v20 =	vsel vm5, $0x180, v20  }
0x2f: {  	v7 =	vsel vm9, $0x4080, v7;
	v8 =	vsel vm13, $0x280, v8;
	v6 =	vsel vm3, $0x80, v6  }
0x30: {  	v20 =	vsel vm4, $0x200, v20;
	v7 =	vsel vm8, $0x4100, v7;
	v8 =	vsel vm14, $0x300, v8  }
0x31: {  	v9 =	vcombine.low v22, v21;
	v58 =	vcombine.low v21, v22;
	v21 =	vimm.s32 $0x4180  }
0x32: {  	v20 =	vsel vm2, $0x280, v20;
	v7 =	vsel vm7, $0x4180, v7;
	v8 =	vsel vm12, $0x380, v8  }
0x33: {  	v21 =	vsel vm13, $0x4200, v21;
	v20 =	vsel vm1, $0x300, v20;
	v7 =	vsel vm6, $0x4200, v7  }
0x34: {  	v8 =	vsel vm11, $0x4000, v8;
	v21 =	vsel vm14, $0x4280, v21;
	v20 =	vsel vm0, $0x380, v20  }
0x35: {  	v10 =	vsel vm5, $0x4280, v7;
	v7 =	vand.u32 $0xF, v9;
	v8 =	vsel vm10, $0x4080, v8  }
0x36: {  	v21 =	vsel vm12, $0x4300, v21;
	v20 =	vsel vm3, $0x4000, v20;
	v9 =	vsel vm4, $0x4300, v10  }
0x37: {  	v10 =	vimm.s32 $0x3210FEDC;
	v8 =	vsel vm9, $0x4100, v8;
	v21 =	vsel vm11, $0x4380, v21  }
0x38: {  	v9 =	vsel vm2, $0x4380, v9;
	v10 =	vunpack.c.l.s4.s8 v10;
	v8 =	vsel vm8, $0x4180, v8  }
0x39: {  	v21 =	vsel vm10, $0x0, v21;
	v9 =	vsel vm1, $0x0, v9;
	v8 =	vsel vm7, $0x4200, v8  }
0x3a: {  	v21 =	vsel vm9, $0x80, v21;
	v23 =	vunpack.c.0.s8.s32 v10;
	v8 =	vsel vm6, $0x4280, v8  }
0x3b: {  	v10 =	vimm.s32 $0x280;
	v9 =	vsel vm0, $0x80, v9;
	v21 =	vsel vm8, $0x100, v21  }
0x3c: {  	v8 =	vsel vm5, $0x4300, v8;
	v10 =	vsel vm13, $0x300, v10;
	v21 =	vsel vm7, $0x180, v21  }
0x3d: {  	v8 =	vsel vm4, $0x4380, v8;
	v10 =	vsel vm14, $0x380, v10;
	v11 =	vcombine.low v24, v23  }
0x3e: {  	v21 =	vsel vm6, $0x200, v21;
	v59 =	vcombine.low v23, v24;
	v24 =	vimm.s32 $0x4200  }
0x3f: {  	v12 =	vsel vm2, $0x0, v8;
	v10 =	vsel vm12, $0x4000, v10;
	v8 =	vsel vm3, $0x100, v9  }
0x40: {  	v12 =	vsel vm1, $0x80, v12;
	v10 =	vsel vm11, $0x4080, v10;
	v9 =	vand.u32 $0xF, v11  }
0x41: {  	v11 =	vsel vm0, $0x100, v12;
	v10 =	vsel vm10, $0x4100, v10;
	v12 =	vimm.s32 $0x43210FED  }
0x42: {  	v23 =	vand.u32 $0xF, v58;
	v10 =	vsel vm9, $0x4180, v10;
	v12 =	vunpack.c.l.s4.s8 v12  }
0x43: {  	v21 =	vsel vm5, $0x280, v21;
	v60 =	vsel vm13, $0x4280, v24;
	v14 =	vsel vm8, $0x4200, v10  }
0x44: {  	v10 =	vsel vm3, $0x180, v11;
	v11 =	vsel vm7, $0x4280, v14;
	v26 =	vunpack.c.0.s8.s32 v12  }
0x45: {  	v12 =	vsel vm12, $0x4080, v13;
	v13 =	vimm.s32 $0xCBA98765;
	v14 =	vimm.s32 $0x543210FE  }
0x46: {  	v11 =	vsel vm6, $0x4300, v11;
	v12 =	vsel vm11, $0x4100, v12;
	v13 =	vunpack.c.l.s4.s8 v13  }
0x47: {  	v14 =	vunpack.c.l.s4.s8 v14;
	v11 =	vsel vm5, $0x4380, v11;
	v12 =	vsel vm10, $0x4180, v12  }
0x48: {  	v11 =	vsel vm4, $0x0, v11;
	v12 =	vsel vm9, $0x4200, v12;
	v29 =	vunpack.c.0.s8.s32 v13  }
0x49: {  	v30 =	vunpack.c.0.s8.s32 v14;
	v12 =	vsel vm8, $0x4280, v12;
	v11 =	vsel vm2, $0x80, v11  }
0x4a: {  	v12 =	vsel vm7, $0x4300, v12;
	v13 =	vcombine.low v29, v26;
	v11 =	vsel vm1, $0x100, v11  }
0x4b: {  	v15 =	vcombine.low v31, v30;
	v29 =	vcombine.low v26, v29;
	v26 =	vimm.s32 $0x4280  }
0x4c: {  	v30 =	vcombine.low v30, v31;
	v31 =	vimm.s32 $0x4300;
	v12 =	vsel vm6, $0x4380, v12  }
0x4d: {  	v14 =	vsel vm0, $0x180, v11;
	v26 =	vsel vm13, $0x4300, v26;
	v31 =	vsel vm13, $0x4380, v31  }
0x4e: {  	v12 =	vsel vm5, $0x0, v12;
	v11 =	vand.u32 $0xF, v13;
	v13 =	vand.u32 $0xF, v15  }
0x4f: {  	v15 =	vimm.s32 $0x380;
	v26 =	vsel vm14, $0x4380, v26;
	v31 =	vsel vm14, $0x0, v31  }
0x50: {  	v16 =	vsel vm4, $0x80, v12;
	v12 =	vsel vm3, $0x200, v14;
	v15 =	vsel vm13, $0x4000, v15  }
0x51: {  	v26 =	vsel vm12, $0x0, v26;
	v31 =	vsel vm12, $0x80, v31;
	v14 =	vsel vm2, $0x100, v16  }
0x52: {  	v15 =	vsel vm14, $0x4080, v15;
	v26 =	vsel vm11, $0x80, v26;
	v31 =	vsel vm11, $0x100, v31  }
0x53: {  	v14 =	vsel vm1, $0x180, v14;
	v26 =	vsel vm10, $0x100, v26;
	v31 =	vsel vm10, $0x180, v31  }
0x54: {  	v16 =	vsel vm0, $0x200, v14;
	v14 =	vimm.s32 $0x6543210F;
	v26 =	vsel vm9, $0x180, v26  }
0x55: {  	v31 =	vsel vm9, $0x200, v31;
	v14 =	vunpack.c.l.s4.s8 v14;
	v26 =	vsel vm8, $0x200, v26  }
0x56: {  	v15 =	vsel vm12, $0x4100, v15;
	v31 =	vsel vm8, $0x280, v31;
	v26 =	vsel vm7, $0x280, v26  }
0x57: {  	v31 =	vsel vm7, $0x300, v31;
	v27 =	vunpack.c.0.s8.s32 v14;
	v14 =	vsel vm11, $0x4180, v15  }
0x58: {  	v15 =	vsel vm13, $0x4080, v28;
	v28 =	vunpack.c.0.s8.s32 v25;
	v25 =	vimm.s32 $0xFEDCBA98  }
0x59: {  	v26 =	vsel vm6, $0x300, v26;
	v31 =	vsel vm6, $0x380, v31;
	v14 =	vsel vm10, $0x4200, v14  }
0x5a: {  	v15 =	vsel vm14, $0x4100, v15;
	v25 =	vunpack.c.l.s4.s8 v25;
	v26 =	vsel vm5, $0x380, v26  }
0x5b: {  	v31 =	vsel vm5, $0x4000, v31;
	v14 =	vsel vm9, $0x4280, v14;
	v15 =	vsel vm12, $0x4180, v15  }
0x5c: {  	v26 =	vsel vm4, $0x4000, v26;
	v31 =	vsel vm4, $0x4080, v31;
	v15 =	vsel vm11, $0x4200, v15  }
0x5d: {  	v63 =	vcombine.low v27, v28;
	v14 =	vsel vm8, $0x4300, v14;
	v15 =	vsel vm10, $0x4280, v15  }
0x5e: {  	v25 =	vunpack.c.0.s8.s32 v25;
	v61 =	vsel vm2, $0x4080, v26;
	v15 =	vsel vm9, $0x4300, v15  }
0x5f: {  	v31 =	vsel vm2, $0x4100, v31;
	v14 =	vsel vm7, $0x4380, v14;
	v15 =	vsel vm8, $0x4380, v15  }
0x60: {  	v62 =	vsel vm1, $0x4100, v61;
	v14 =	vsel vm6, $0x0, v14;
	v15 =	vsel vm7, $0x0, v15  }
0x61: {  	v25 =	vand.u32 $0xF, v25;
	v14 =	vsel vm5, $0x80, v14;
	v15 =	vsel vm6, $0x80, v15  }
0x62: {  	v33 =	vsel vm4, $0x100, v14;
	v14 =	vcombine.low v25, v32;
	v54 =	vsel vm5, $0x100, v15  }
0x63: {  	v25 =	vcombine.low v28, v27;
	v53 =	vsel vm2, $0x180, v33;
	v33 =	vsel vm4, $0x180, v54  }
0x64: {  	v15 =	vsel vm3, $0x280, v16;
	v32 =	vsel vm1, $0x200, v53;
	v55 =	vsel vm2, $0x200, v33  }
0x65: {  	v16 =	vand.u32 $0xF, v25;
	v25 =	vsel vm0, $0x280, v32;
	v32 =	vsel vm1, $0x280, v55  }
0x66: {  	v31 =	vsel vm1, $0x4180, v31;
	v17 =	vsel vm3, $0x300, v25;
	v25 =	vsel vm0, $0x300, v32  }
0x67: {  	v32 =	vsel vm14, $0x4300, v60;
	v18 =	vsel vm3, $0x380, v25;
	v25 =	vsel vm13, $0x4180, v19  }
0x68: {  	v31 =	vsel vm0, $0x4200, v31;
	v32 =	vsel vm12, $0x4380, v32;
	v25 =	vsel vm14, $0x4200, v25  }
0x69: {  	v27 =	vand.u32 $0xF, v29;
	v32 =	vsel vm11, $0x0, v32;
	v25 =	vsel vm12, $0x4280, v25  }
0x6a: {  	s0 =	rddreg [dreg:$0x0];
	v29 =	vand.u32 $0xF, v30;
	v32 =	vsel vm10, $0x80, v32;
	v22 =	vsel vm11, $0x4300, v25  }
0x6b: {  	s1 =	rddreg [dreg:$0x1];
	v30 =	vsel vm3, $0x4280, v31;
	v32 =	vsel vm9, $0x100, v32;
	v22 =	vsel vm10, $0x4380, v22  }
0x6c: {  	s11 =	rddreg [dreg:$0x2];
	v31 =	vand.u32 $0xF, v63;
	v32 =	vsel vm8, $0x180, v32;
	v22 =	vsel vm9, $0x0, v22  }
0x6d: {  	s2 =	rddreg [dreg:$0x3];
	s3 =	simm.s32 $0x0;
	s4 =	srdreg.scid;
	v19 =	vand.u32 $0xF, v56;
	v32 =	vsel vm7, $0x200, v32;
	v22 =	vsel vm8, $0x80, v22  }
0x6e: {  	s13 =	simm.s32 $0x4000;
	s14 =	simm.s32 $0x1;
	s15 =	simm.s32 $0x8000;
	v25 =	vsel vm4, $0x300, v21;
	v32 =	vsel vm6, $0x280, v32;
	v22 =	vsel vm7, $0x100, v22  }
0x6f: {  	s16 =	simm.s32 $0x3;
	s17 =	simm.s32 $0x2;
	s18 =	simm.s32 $0x0;
	v21 =	vand.u32 $0xF, v34;
	v32 =	vsel vm5, $0x300, v32;
	v22 =	vsel vm6, $0x180, v22  }
0x70: {  	[smem:$0x7FF] =	sst s3;
	s6 =	sand.u32 $0x1, s4;
	s4 =	stileid.u32;
	v25 =	vsel vm2, $0x380, v25;
	v32 =	vsel vm4, $0x380, v32;
	v22 =	vsel vm5, $0x200, v22  }
.Ltmp0:
0x71: {  	s5 =	sadd.s32 $0xA00, s11;
	s10 =	sadd.s32 $0x1E8280, s0;
	v25 =	vsel vm1, $0x4000, v25;
	v32 =	vsel vm2, $0x4000, v32;
	v22 =	vsel vm4, $0x280, v22;
	(pc) =	sbr.rel .LBB2_1-.Ltmp0, $4  }
0x72: {  	_ =	strace $0x80000047;
	s7 =	ssub.s32 $0x2, s6;
	s9 =	sshll.u32 s4, $0x1;
	v25 =	vsel vm0, $0x4080, v25;
	v32 =	vsel vm1, $0x4080, v32;
	v22 =	vsel vm2, $0x300, v22  }
0x73: {  	s8 =	sshrl.u32 s7, $0x1;
	s6 =	sor.u32 s6, s9;
	s9 =	sadd.s32 $0xF4000, s0;
	v24 =	vsel vm3, $0x4100, v25;
	v32 =	vsel vm0, $0x4100, v32;
	v22 =	vsel vm1, $0x380, v22  }
0x74: {  	s12 =	ssub.s32 s7, s8;
	s7 =	sadd.s32 $0x1E8E00, s11;
	s8 =	sadd.s32 $0xF4280, s0;
	v26 =	vsel vm3, $0x4180, v32;
	v32 =	vsel vm0, $0x4180, v62;
	v22 =	vsel vm0, $0x4000, v22  }
0x75: {  	s11 =	sadd.s32 $0x1E8A00, s11;
	p0 =	sne.s32 s6, $0x1F;
	s12 =	smax.u32 s12, $0x1;
	v25 =	vand.u32 $0xF, v59;
	v28 =	vsel vm3, $0x4200, v32;
	v22 =	vsel vm3, $0x4080, v22  }
.LBB2_11:
0x76: {  	s18 =	sadd.s32 $0x1, s18  }
0x77: {  	p1 =	sne.s32 s18, s12  }
.Ltmp1:
0x78: {  	_ = 	snop;
	(pc) =	sbr.rel @!p1 .LBB2_12-.Ltmp1, $1  }
0x79: {  	_ =	sdelay $0x3  }
.LBB2_1:
0x7a: {  	s19 =	simm.s32 @!p0 $0x0;
	s20 =	simm.s32 @!p0 $0x8000;
	s21 =	simm.s32 @!p0 $0x2  }
0x7b: {  	[tilespmem:s20], [sflag:$0x2] =	stream.linear.gather @!p0 [hbm4b:s1+s19], $0x400, $0x38;
	[tilespmem:$0x10000] =	vst v63  }
0x7c: {  	_ =	swait.ge @!p0 [sflag:s21], $0x400  }
0x7d: {  	[sflag:s21] =	ssyncset.done @!p0 $0x0  }
.Ltmp2:
0x7e: {  	[sflag:s21] =	ssyncadd.s32 @!p0 $0xFFFFFC00;
	(pc) =	sbr.rel .LBB2_2-.Ltmp2, $4  }
0x7f: {  	[hbm4b:s7+s19] =	stream.linear.scatter @!p0 [tilespmem:s20], [sflag:$0x2], $0x400, $0x38;
	[tilespmem:$0x10000] =	vst v63  }
0x80: {  	_ =	swait.ge @!p0 [sflag:s21], $0x400  }
0x81: {  	[sflag:s21] =	ssyncset.done @!p0 $0x0  }
0x82: {  	s19 =	simm.s32 $0x0;
	[sflag:s21] =	ssyncadd.s32 @!p0 $0xFFFFFC00  }
.LBB2_9:
0x83: {  	_ =	sdelay $0x2  }
0x84: {  	v36 =	vand.u32 $0x7F, v33;
	v35 =	vand.u32 $0xFFFFFC00, v35  }
0x85: {  	v34 =	vld.idx.msk [tilespmem:v34+s3+$0x0], $0xffff;
	v32 =	vor.u32 v31, v32;
	v35 =	vor.u32 v36, v35  }
0x86: {  	v36 =	vadd.s32 v0, v35;
	_ =	sdelay $0x3  }
0x87: {  	[tilespmem:v32+s15+$0x0] =	vst.idx.msk $0xffff, v34;
	v32 =	vshll.u32 v33, $0x4  }
0x88: {  	v59 =	vor.u32 v1, v32;
	v58 =	vld.idx.msk [tilespmem:v36+s3+$0x0], $0xffff  }
0x89: {  	v60 =	vadd.s32 v2, v35;
	_ =	sdelay $0x3  }
0x8a: {  	[tilespmem:v59+s15+$0x0] =	vst.idx.msk $0xffff, v58  }
0x8b: {  	v61 =	vor.u32 v3, v32;
	v33 =	vld.idx.msk [tilespmem:v60+s3+$0x0], $0xffff  }
0x8c: {  	v62 =	vadd.s32 v4, v35;
	_ =	sdelay $0x3  }
0x8d: {  	[tilespmem:v61+s15+$0x0] =	vst.idx.msk $0xffff, v33  }
0x8e: {  	v63 =	vor.u32 v5, v32;
	v33 =	vld.idx.msk [tilespmem:v62+s3+$0x0], $0xffff  }
0x8f: {  	v40 =	vadd.s32 v6, v35;
	_ =	sdelay $0x3  }
0x90: {  	[tilespmem:v63+s15+$0x0] =	vst.idx.msk $0xffff, v33  }
0x91: {  	v41 =	vor.u32 v7, v32;
	v33 =	vld.idx.msk [tilespmem:v40+s3+$0x0], $0xffff  }
0x92: {  	v42 =	vadd.s32 v8, v35;
	_ =	sdelay $0x3  }
0x93: {  	[tilespmem:v41+s15+$0x0] =	vst.idx.msk $0xffff, v33  }
0x94: {  	v43 =	vor.u32 v9, v32;
	v33 =	vld.idx.msk [tilespmem:v42+s3+$0x0], $0xffff  }
0x95: {  	v44 =	vadd.s32 v10, v35;
	_ =	sdelay $0x3  }
0x96: {  	[tilespmem:v43+s15+$0x0] =	vst.idx.msk $0xffff, v33  }
0x97: {  	v45 =	vor.u32 v11, v32;
	v33 =	vld.idx.msk [tilespmem:v44+s3+$0x0], $0xffff  }
0x98: {  	v46 =	vadd.s32 v12, v35;
	_ =	sdelay $0x3  }
0x99: {  	[tilespmem:v45+s15+$0x0] =	vst.idx.msk $0xffff, v33  }
0x9a: {  	v47 =	vor.u32 v13, v32;
	v33 =	vld.idx.msk [tilespmem:v46+s3+$0x0], $0xffff  }
0x9b: {  	v48 =	vadd.s32 v15, v35;
	_ =	sdelay $0x3  }
0x9c: {  	[tilespmem:v47+s15+$0x0] =	vst.idx.msk $0xffff, v33  }
0x9d: {  	v49 =	vor.u32 v16, v32;
	v33 =	vld.idx.msk [tilespmem:v48+s3+$0x0], $0xffff  }
0x9e: {  	v50 =	vadd.s32 v17, v35;
	_ =	sdelay $0x3  }
0x9f: {  	[tilespmem:v49+s15+$0x0] =	vst.idx.msk $0xffff, v33  }
0xa0: {  	v51 =	vor.u32 v14, v32;
	v33 =	vld.idx.msk [tilespmem:v50+s3+$0x0], $0xffff  }
0xa1: {  	v52 =	vadd.s32 v18, v35;
	_ =	sdelay $0x3  }
0xa2: {  	[tilespmem:v51+s15+$0x0] =	vst.idx.msk $0xffff, v33  }
0xa3: {  	v53 =	vor.u32 v19, v32;
	v33 =	vld.idx.msk [tilespmem:v52+s3+$0x0], $0xffff  }
0xa4: {  	v54 =	vadd.s32 v20, v35;
	_ =	sdelay $0x3  }
0xa5: {  	[tilespmem:v53+s15+$0x0] =	vst.idx.msk $0xffff, v33  }
0xa6: {  	v55 =	vor.u32 v21, v32;
	v33 =	vld.idx.msk [tilespmem:v54+s3+$0x0], $0xffff  }
0xa7: {  	v56 =	vadd.s32 v22, v35;
	_ =	sdelay $0x3  }
0xa8: {  	[tilespmem:v55+s15+$0x0] =	vst.idx.msk $0xffff, v33  }
0xa9: {  	v57 =	vor.u32 v23, v32;
	v33 =	vld.idx.msk [tilespmem:v56+s3+$0x0], $0xffff  }
0xaa: {  	v58 =	vadd.s32 v24, v35;
	_ =	sdelay $0x3  }
0xab: {  	[tilespmem:v57+s15+$0x0] =	vst.idx.msk $0xffff, v33  }
0xac: {  	v59 =	vor.u32 v25, v32;
	v33 =	vld.idx.msk [tilespmem:v58+s3+$0x0], $0xffff  }
0xad: {  	v60 =	vadd.s32 v26, v35;
	_ =	sdelay $0x3  }
0xae: {  	[tilespmem:v59+s15+$0x0] =	vst.idx.msk $0xffff, v33  }
0xaf: {  	v61 =	vor.u32 v27, v32;
	v33 =	vld.idx.msk [tilespmem:v60+s3+$0x0], $0xffff  }
0xb0: {  	v62 =	vadd.s32 v28, v35;
	_ =	sdelay $0x3  }
0xb1: {  	[tilespmem:v61+s15+$0x0] =	vst.idx.msk $0xffff, v33  }
0xb2: {  	v63 =	vor.u32 v29, v32;
	v33 =	vld.idx.msk [tilespmem:v62+s3+$0x0], $0xffff  }
0xb3: {  	v35 =	vadd.s32 v30, v35;
	_ =	sdelay $0x3  }
0xb4: {  	[tilespmem:v63+s15+$0x0] =	vst.idx.msk $0xffff, v33  }
0xb5: {  	v32 =	vor.u32 v31, v32;
	v33 =	vld.idx.msk [tilespmem:v35+s3+$0x0], $0xffff;
	_ =	sdelay $0x4  }
0xb6: {  	[tilespmem:v32+s15+$0x0] =	vst.idx.msk $0xffff, v33  }
0xb7: {  	_ =	sdelay $0x7ff  }
0xb8: {  	_ =	sdelay $0xaf  }
0xb9: {  	[hbm4b:s11+s3] =	stream.linear.scatter [tilespmem:s15], [sflag:$0x2], $0x2000, $0x38;
	[tilespmem:$0x10000] =	vst v63  }
0xba: {  	_ =	swait.ge [sflag:s17], $0x2000  }
0xbb: {  	[sflag:s17] =	ssyncset.done $0x0  }
0xbc: {  	[sflag:s17] =	ssyncadd.s32 $0xFFFFE000  }
.LBB2_10:
0xbd: {  	s19 =	sadd.s32 $0x1, s19  }
0xbe: {  	p1 =	sne.s32 s19, $0x10  }
.Ltmp3:
0xbf: {  	_ = 	snop;
	(pc) =	sbr.rel @!p1 .LBB2_11-.Ltmp3, $1  }
0xc0: {  	_ =	sdelay $0x3  }
.LBB2_2:
0xc1: {  	s20 =	sshll.u32 s19, $0x5  }
0xc2: {  	s20 =	sor.u32 s6, s20  }
0xc3: {  	p1 =	sgt.u32 s20, $0x1E7  }
.Ltmp4:
0xc4: {  	_ = 	snop;
	(pc) =	sbr.rel @p1 .LBB2_6-.Ltmp4, $1  }
0xc5: {  	_ =	sdelay $0x3  }
0xc6: {  	s21 =	sshll.u32 s20, $0xB  }
0xc7: {  	s22 =	sadd.s32 s0, s21  }
0xc8: {  	v33 =	vlaneseq.u32;
	[tilespmem:s3], [sflag:$0x1] =	stream.linear.gather [hbm4b:s22+s3], $0x4000, $0x38;
	[tilespmem:$0x10000] =	vst v63  }
0xc9: {  	s21 =	sadd.s32 s21, s8;
	v32 =	vshll.u32 v33, $0x3  }
0xca: {  	v34 =	vand.u32 $0x7F, v33;
	v32 =	vand.u32 $0xFFFFFC00, v32;
	[tilespmem:s13], [sflag:$0x1] =	stream.linear.gather [hbm4b:s21+s3], $0x4000, $0x38;
	[tilespmem:$0x10000] =	vst v63  }
0xcb: {  	v34 =	vor.u32 v34, v32;
	_ =	swait.ge [sflag:s14], $0x4000  }
0xcc: {  	v35 =	vadd.s32 v0, v34;
	[sflag:s14] =	ssyncset.done $0x0  }
0xcd: {  	[sflag:s14] =	ssyncadd.s32 $0xFFFFC000  }
0xce: {  	_ =	swait.ge [sflag:s14], $0x4000  }
0xcf: {  	[sflag:s14] =	ssyncset.done $0x0  }
0xd0: {  	v32 =	vshll.u32 v33, $0x4;
	[sflag:s14] =	ssyncadd.s32 $0xFFFFC000  }
0xd1: {  	v36 =	vor.u32 v1, v32;
	v35 =	vld.idx.msk [tilespmem:v35+s3+$0x0], $0xffff  }
0xd2: {  	v37 =	vadd.s32 v2, v34;
	_ =	sdelay $0x3  }
0xd3: {  	[tilespmem:v36+s15+$0x0] =	vst.idx.msk $0xffff, v35  }
0xd4: {  	v61 =	vor.u32 v3, v32;
	v35 =	vld.idx.msk [tilespmem:v37+s3+$0x0], $0xffff  }
0xd5: {  	v62 =	vadd.s32 v4, v34;
	_ =	sdelay $0x3  }
0xd6: {  	[tilespmem:v61+s15+$0x0] =	vst.idx.msk $0xffff, v35  }
0xd7: {  	v63 =	vor.u32 v5, v32;
	v35 =	vld.idx.msk [tilespmem:v62+s3+$0x0], $0xffff  }
0xd8: {  	v40 =	vadd.s32 v6, v34;
	_ =	sdelay $0x3  }
0xd9: {  	[tilespmem:v63+s15+$0x0] =	vst.idx.msk $0xffff, v35  }
0xda: {  	v41 =	vor.u32 v7, v32;
	v35 =	vld.idx.msk [tilespmem:v40+s3+$0x0], $0xffff  }
0xdb: {  	v42 =	vadd.s32 v8, v34;
	_ =	sdelay $0x3  }
0xdc: {  	[tilespmem:v41+s15+$0x0] =	vst.idx.msk $0xffff, v35  }
0xdd: {  	v43 =	vor.u32 v9, v32;
	v35 =	vld.idx.msk [tilespmem:v42+s3+$0x0], $0xffff  }
0xde: {  	v44 =	vadd.s32 v10, v34;
	_ =	sdelay $0x3  }
0xdf: {  	[tilespmem:v43+s15+$0x0] =	vst.idx.msk $0xffff, v35  }
0xe0: {  	v45 =	vor.u32 v11, v32;
	v35 =	vld.idx.msk [tilespmem:v44+s3+$0x0], $0xffff  }
0xe1: {  	v46 =	vadd.s32 v12, v34;
	_ =	sdelay $0x3  }
0xe2: {  	[tilespmem:v45+s15+$0x0] =	vst.idx.msk $0xffff, v35  }
0xe3: {  	v47 =	vor.u32 v13, v32;
	v35 =	vld.idx.msk [tilespmem:v46+s3+$0x0], $0xffff  }
0xe4: {  	v48 =	vadd.s32 v15, v34;
	_ =	sdelay $0x3  }
0xe5: {  	[tilespmem:v47+s15+$0x0] =	vst.idx.msk $0xffff, v35  }
0xe6: {  	v49 =	vor.u32 v16, v32;
	v35 =	vld.idx.msk [tilespmem:v48+s3+$0x0], $0xffff  }
0xe7: {  	v50 =	vadd.s32 v17, v34;
	_ =	sdelay $0x3  }
0xe8: {  	[tilespmem:v49+s15+$0x0] =	vst.idx.msk $0xffff, v35  }
0xe9: {  	v51 =	vor.u32 v14, v32;
	v35 =	vld.idx.msk [tilespmem:v50+s3+$0x0], $0xffff  }
0xea: {  	v52 =	vadd.s32 v18, v34;
	_ =	sdelay $0x3  }
0xeb: {  	[tilespmem:v51+s15+$0x0] =	vst.idx.msk $0xffff, v35  }
0xec: {  	v53 =	vor.u32 v19, v32;
	v35 =	vld.idx.msk [tilespmem:v52+s3+$0x0], $0xffff  }
0xed: {  	v54 =	vadd.s32 v20, v34;
	_ =	sdelay $0x3  }
0xee: {  	[tilespmem:v53+s15+$0x0] =	vst.idx.msk $0xffff, v35  }
0xef: {  	v55 =	vor.u32 v21, v32;
	v35 =	vld.idx.msk [tilespmem:v54+s3+$0x0], $0xffff  }
0xf0: {  	v56 =	vadd.s32 v22, v34;
	_ =	sdelay $0x3  }
0xf1: {  	[tilespmem:v55+s15+$0x0] =	vst.idx.msk $0xffff, v35  }
0xf2: {  	v57 =	vor.u32 v23, v32;
	v35 =	vld.idx.msk [tilespmem:v56+s3+$0x0], $0xffff  }
0xf3: {  	v58 =	vadd.s32 v24, v34;
	_ =	sdelay $0x3  }
0xf4: {  	[tilespmem:v57+s15+$0x0] =	vst.idx.msk $0xffff, v35  }
0xf5: {  	v59 =	vor.u32 v25, v32;
	v35 =	vld.idx.msk [tilespmem:v58+s3+$0x0], $0xffff  }
0xf6: {  	v60 =	vadd.s32 v26, v34;
	_ =	sdelay $0x3  }
0xf7: {  	[tilespmem:v59+s15+$0x0] =	vst.idx.msk $0xffff, v35  }
0xf8: {  	v61 =	vor.u32 v27, v32;
	v35 =	vld.idx.msk [tilespmem:v60+s3+$0x0], $0xffff  }
0xf9: {  	v62 =	vadd.s32 v28, v34;
	_ =	sdelay $0x3  }
0xfa: {  	[tilespmem:v61+s15+$0x0] =	vst.idx.msk $0xffff, v35  }
0xfb: {  	v63 =	vor.u32 v29, v32;
	v36 =	vld.idx.msk [tilespmem:v62+s3+$0x0], $0xffff  }
0xfc: {  	v34 =	vadd.s32 v30, v34;
	_ =	sdelay $0x2  }
0xfd: {  	v33 =	vadd.s32 $0x10, v33  }
0xfe: {  	s21 =	simm.s32 $0x7E;
	v35 =	vshll.u32 v33, $0x3;
	[tilespmem:v63+s15+$0x0] =	vst.idx.msk $0xffff, v36  }
.LBB2_4:
0xff: {  	p1 =	sne.s32 s21, $0x1;
	v36 =	vand.u32 $0x7F, v33;
	v35 =	vand.u32 $0xFFFFFC00, v35;
	v37 =	vld.idx.msk [tilespmem:v34+s3+$0x0], $0xffff  }
0x100: {  	v32 =	vor.u32 v31, v32;
	v34 =	vor.u32 v36, v35  }
0x101: {  	v35 =	vadd.s32 v0, v34;
	_ =	sdelay $0x3  }
0x102: {  	[tilespmem:v32+s15+$0x0] =	vst.idx.msk $0xffff, v37  }
0x103: {  	v32 =	vshll.u32 v33, $0x4;
	v35 =	vld.idx.msk [tilespmem:v35+s3+$0x0], $0xffff  }
0x104: {  	v36 =	vor.u32 v1, v32  }
0x105: {  	v37 =	vadd.s32 v2, v34;
	_ =	sdelay $0x3  }
0x106: {  	[tilespmem:v36+s15+$0x0] =	vst.idx.msk $0xffff, v35  }
0x107: {  	v35 =	vld.idx.msk [tilespmem:v37+s3+$0x0], $0xffff  }
0x108: {  	v36 =	vor.u32 v3, v32  }
0x109: {  	v37 =	vadd.s32 v4, v34;
	_ =	sdelay $0x3  }
0x10a: {  	[tilespmem:v36+s15+$0x0] =	vst.idx.msk $0xffff, v35  }
0x10b: {  	v35 =	vld.idx.msk [tilespmem:v37+s3+$0x0], $0xffff  }
0x10c: {  	v36 =	vor.u32 v5, v32  }
0x10d: {  	v37 =	vadd.s32 v6, v34;
	_ =	sdelay $0x3  }
0x10e: {  	[tilespmem:v36+s15+$0x0] =	vst.idx.msk $0xffff, v35  }
0x10f: {  	v35 =	vld.idx.msk [tilespmem:v37+s3+$0x0], $0xffff  }
0x110: {  	v36 =	vor.u32 v7, v32  }
0x111: {  	v37 =	vadd.s32 v8, v34;
	_ =	sdelay $0x3  }
0x112: {  	[tilespmem:v36+s15+$0x0] =	vst.idx.msk $0xffff, v35  }
0x113: {  	v35 =	vld.idx.msk [tilespmem:v37+s3+$0x0], $0xffff  }
0x114: {  	v36 =	vor.u32 v9, v32  }
0x115: {  	v37 =	vadd.s32 v10, v34;
	_ =	sdelay $0x3  }
0x116: {  	[tilespmem:v36+s15+$0x0] =	vst.idx.msk $0xffff, v35  }
0x117: {  	v35 =	vld.idx.msk [tilespmem:v37+s3+$0x0], $0xffff  }
0x118: {  	v36 =	vor.u32 v11, v32  }
0x119: {  	v37 =	vadd.s32 v12, v34;
	_ =	sdelay $0x3  }
0x11a: {  	[tilespmem:v36+s15+$0x0] =	vst.idx.msk $0xffff, v35  }
0x11b: {  	v35 =	vld.idx.msk [tilespmem:v37+s3+$0x0], $0xffff  }
0x11c: {  	v36 =	vor.u32 v13, v32  }
0x11d: {  	v37 =	vadd.s32 v15, v34;
	_ =	sdelay $0x3  }
0x11e: {  	[tilespmem:v36+s15+$0x0] =	vst.idx.msk $0xffff, v35  }
0x11f: {  	v35 =	vld.idx.msk [tilespmem:v37+s3+$0x0], $0xffff  }
0x120: {  	v36 =	vor.u32 v16, v32  }
0x121: {  	v37 =	vadd.s32 v17, v34;
	_ =	sdelay $0x3  }
0x122: {  	[tilespmem:v36+s15+$0x0] =	vst.idx.msk $0xffff, v35  }
0x123: {  	v35 =	vld.idx.msk [tilespmem:v37+s3+$0x0], $0xffff  }
0x124: {  	v36 =	vor.u32 v14, v32  }
0x125: {  	v37 =	vadd.s32 v18, v34;
	_ =	sdelay $0x3  }
0x126: {  	[tilespmem:v36+s15+$0x0] =	vst.idx.msk $0xffff, v35  }
0x127: {  	v35 =	vld.idx.msk [tilespmem:v37+s3+$0x0], $0xffff  }
0x128: {  	v36 =	vor.u32 v19, v32  }
0x129: {  	v37 =	vadd.s32 v20, v34;
	_ =	sdelay $0x3  }
0x12a: {  	[tilespmem:v36+s15+$0x0] =	vst.idx.msk $0xffff, v35  }
0x12b: {  	v35 =	vld.idx.msk [tilespmem:v37+s3+$0x0], $0xffff  }
0x12c: {  	v36 =	vor.u32 v21, v32  }
0x12d: {  	v37 =	vadd.s32 v22, v34;
	_ =	sdelay $0x3  }
0x12e: {  	[tilespmem:v36+s15+$0x0] =	vst.idx.msk $0xffff, v35  }
0x12f: {  	v35 =	vld.idx.msk [tilespmem:v37+s3+$0x0], $0xffff  }
0x130: {  	v36 =	vor.u32 v23, v32  }
0x131: {  	v37 =	vadd.s32 v24, v34;
	_ =	sdelay $0x3  }
0x132: {  	[tilespmem:v36+s15+$0x0] =	vst.idx.msk $0xffff, v35  }
0x133: {  	v35 =	vld.idx.msk [tilespmem:v37+s3+$0x0], $0xffff  }
0x134: {  	v36 =	vor.u32 v25, v32  }
0x135: {  	v37 =	vadd.s32 v26, v34;
	_ =	sdelay $0x3  }
0x136: {  	[tilespmem:v36+s15+$0x0] =	vst.idx.msk $0xffff, v35  }
0x137: {  	v35 =	vld.idx.msk [tilespmem:v37+s3+$0x0], $0xffff  }
0x138: {  	v36 =	vor.u32 v27, v32  }
0x139: {  	v37 =	vadd.s32 v28, v34;
	_ =	sdelay $0x3  }
0x13a: {  	[tilespmem:v36+s15+$0x0] =	vst.idx.msk $0xffff, v35  }
0x13b: {  	v36 =	vld.idx.msk [tilespmem:v37+s3+$0x0], $0xffff  }
0x13c: {  	v37 =	vor.u32 v29, v32  }
.Ltmp5:
0x13d: {  	v34 =	vadd.s32 v30, v34;
	(pc) =	sbr.rel @p1 .LBB2_4-.Ltmp5, $3  }
0x13e: {  	_ =	sdelay $0x1  }
0x13f: {  	v33 =	vadd.s32 $0x10, v33  }
0x140: {  	s21 =	sadd.s32 $0xFFFFFFFF, s21;
	v35 =	vshll.u32 v33, $0x3;
	[tilespmem:v37+s15+$0x0] =	vst.idx.msk $0xffff, v36  }
0x141: {  	_ =	sdelay $0x2  }
0x142: {  	v36 =	vand.u32 $0x7F, v33;
	v35 =	vand.u32 $0xFFFFFC00, v35  }
0x143: {  	v34 =	vld.idx.msk [tilespmem:v34+s3+$0x0], $0xffff;
	v32 =	vor.u32 v31, v32;
	v35 =	vor.u32 v36, v35  }
0x144: {  	v36 =	vadd.s32 v0, v35;
	_ =	sdelay $0x3  }
0x145: {  	[tilespmem:v32+s15+$0x0] =	vst.idx.msk $0xffff, v34;
	v32 =	vshll.u32 v33, $0x4  }
0x146: {  	v59 =	vor.u32 v1, v32;
	v58 =	vld.idx.msk [tilespmem:v36+s3+$0x0], $0xffff  }
0x147: {  	v60 =	vadd.s32 v2, v35;
	_ =	sdelay $0x3  }
0x148: {  	[tilespmem:v59+s15+$0x0] =	vst.idx.msk $0xffff, v58  }
0x149: {  	v61 =	vor.u32 v3, v32;
	v33 =	vld.idx.msk [tilespmem:v60+s3+$0x0], $0xffff  }
0x14a: {  	v62 =	vadd.s32 v4, v35;
	_ =	sdelay $0x3  }
0x14b: {  	[tilespmem:v61+s15+$0x0] =	vst.idx.msk $0xffff, v33  }
0x14c: {  	v63 =	vor.u32 v5, v32;
	v33 =	vld.idx.msk [tilespmem:v62+s3+$0x0], $0xffff  }
0x14d: {  	v40 =	vadd.s32 v6, v35;
	_ =	sdelay $0x3  }
0x14e: {  	[tilespmem:v63+s15+$0x0] =	vst.idx.msk $0xffff, v33  }
0x14f: {  	v41 =	vor.u32 v7, v32;
	v33 =	vld.idx.msk [tilespmem:v40+s3+$0x0], $0xffff  }
0x150: {  	v42 =	vadd.s32 v8, v35;
	_ =	sdelay $0x3  }
0x151: {  	[tilespmem:v41+s15+$0x0] =	vst.idx.msk $0xffff, v33  }
0x152: {  	v43 =	vor.u32 v9, v32;
	v33 =	vld.idx.msk [tilespmem:v42+s3+$0x0], $0xffff  }
0x153: {  	v44 =	vadd.s32 v10, v35;
	_ =	sdelay $0x3  }
0x154: {  	[tilespmem:v43+s15+$0x0] =	vst.idx.msk $0xffff, v33  }
0x155: {  	v45 =	vor.u32 v11, v32;
	v33 =	vld.idx.msk [tilespmem:v44+s3+$0x0], $0xffff  }
0x156: {  	v46 =	vadd.s32 v12, v35;
	_ =	sdelay $0x3  }
0x157: {  	[tilespmem:v45+s15+$0x0] =	vst.idx.msk $0xffff, v33  }
0x158: {  	v47 =	vor.u32 v13, v32;
	v33 =	vld.idx.msk [tilespmem:v46+s3+$0x0], $0xffff  }
0x159: {  	v48 =	vadd.s32 v15, v35;
	_ =	sdelay $0x3  }
0x15a: {  	[tilespmem:v47+s15+$0x0] =	vst.idx.msk $0xffff, v33  }
0x15b: {  	v49 =	vor.u32 v16, v32;
	v33 =	vld.idx.msk [tilespmem:v48+s3+$0x0], $0xffff  }
0x15c: {  	v50 =	vadd.s32 v17, v35;
	_ =	sdelay $0x3  }
0x15d: {  	[tilespmem:v49+s15+$0x0] =	vst.idx.msk $0xffff, v33  }
0x15e: {  	v51 =	vor.u32 v14, v32;
	v33 =	vld.idx.msk [tilespmem:v50+s3+$0x0], $0xffff  }
0x15f: {  	v52 =	vadd.s32 v18, v35;
	_ =	sdelay $0x3  }
0x160: {  	[tilespmem:v51+s15+$0x0] =	vst.idx.msk $0xffff, v33  }
0x161: {  	v53 =	vor.u32 v19, v32;
	v33 =	vld.idx.msk [tilespmem:v52+s3+$0x0], $0xffff  }
0x162: {  	v54 =	vadd.s32 v20, v35;
	_ =	sdelay $0x3  }
0x163: {  	[tilespmem:v53+s15+$0x0] =	vst.idx.msk $0xffff, v33  }
0x164: {  	v55 =	vor.u32 v21, v32;
	v33 =	vld.idx.msk [tilespmem:v54+s3+$0x0], $0xffff  }
0x165: {  	v56 =	vadd.s32 v22, v35;
	_ =	sdelay $0x3  }
0x166: {  	[tilespmem:v55+s15+$0x0] =	vst.idx.msk $0xffff, v33  }
0x167: {  	v57 =	vor.u32 v23, v32;
	v33 =	vld.idx.msk [tilespmem:v56+s3+$0x0], $0xffff  }
0x168: {  	v58 =	vadd.s32 v24, v35;
	_ =	sdelay $0x3  }
0x169: {  	[tilespmem:v57+s15+$0x0] =	vst.idx.msk $0xffff, v33  }
0x16a: {  	v59 =	vor.u32 v25, v32;
	v33 =	vld.idx.msk [tilespmem:v58+s3+$0x0], $0xffff  }
0x16b: {  	v60 =	vadd.s32 v26, v35;
	_ =	sdelay $0x3  }
0x16c: {  	[tilespmem:v59+s15+$0x0] =	vst.idx.msk $0xffff, v33  }
0x16d: {  	v61 =	vor.u32 v27, v32;
	v33 =	vld.idx.msk [tilespmem:v60+s3+$0x0], $0xffff  }
0x16e: {  	v62 =	vadd.s32 v28, v35;
	_ =	sdelay $0x3  }
0x16f: {  	[tilespmem:v61+s15+$0x0] =	vst.idx.msk $0xffff, v33  }
0x170: {  	v63 =	vor.u32 v29, v32;
	v33 =	vld.idx.msk [tilespmem:v62+s3+$0x0], $0xffff  }
0x171: {  	v35 =	vadd.s32 v30, v35;
	_ =	sdelay $0x3  }
0x172: {  	[tilespmem:v63+s15+$0x0] =	vst.idx.msk $0xffff, v33  }
0x173: {  	v32 =	vor.u32 v31, v32;
	v33 =	vld.idx.msk [tilespmem:v35+s3+$0x0], $0xffff;
	_ =	sdelay $0x4  }
0x174: {  	[tilespmem:v32+s15+$0x0] =	vst.idx.msk $0xffff, v33  }
0x175: {  	s20 =	sshll.u32 s20, $0xC;
	_ =	sdelay $0x7ff  }
.Ltmp6:
0x176: {  	s20 =	sadd.s32 s5, s20;
	_ =	sdelay $0xaf;
	(pc) =	sbr.rel .LBB2_10-.Ltmp6, $4  }
0x177: {  	[hbm4b:s20+s3] =	stream.linear.scatter [tilespmem:s15], [sflag:$0x3], $0x8000, $0x38;
	[tilespmem:$0x10000] =	vst v63  }
0x178: {  	_ =	swait.ge [sflag:s16], $0x8000  }
0x179: {  	[sflag:s16] =	ssyncset.done $0x0  }
0x17a: {  	[sflag:s16] =	ssyncadd.s32 $0xFFFF8000  }
.LBB2_6:
0x17b: {  	p1 =	sne.s32 s20, $0x1E8  }
.Ltmp7:
0x17c: {  	_ = 	snop;
	(pc) =	sbr.rel @p1 .LBB2_10-.Ltmp7, $1  }
0x17d: {  	_ =	sdelay $0x3  }
0x17e: {  	[tilespmem:s3], [sflag:$0x1] =	stream.linear.gather [hbm4b:s9+s3], $0x1000, $0x38;
	v33 =	vlaneseq.u32;
	[tilespmem:$0x10000] =	vst v63  }
0x17f: {  	v32 =	vshll.u32 v33, $0x3  }
0x180: {  	v34 =	vand.u32 $0x7F, v33;
	[tilespmem:s13], [sflag:$0x1] =	stream.linear.gather [hbm4b:s10+s3], $0x1000, $0x38;
	v32 =	vand.u32 $0xFFFFFC00, v32;
	[tilespmem:$0x10000] =	vst v63  }
0x181: {  	_ =	swait.ge [sflag:s14], $0x1000;
	v34 =	vor.u32 v34, v32  }
0x182: {  	[sflag:s14] =	ssyncset.done $0x0;
	v35 =	vadd.s32 v0, v34  }
0x183: {  	[sflag:s14] =	ssyncadd.s32 $0xFFFFF000  }
0x184: {  	_ =	swait.ge [sflag:s14], $0x1000  }
0x185: {  	[sflag:s14] =	ssyncset.done $0x0  }
0x186: {  	v32 =	vshll.u32 v33, $0x4;
	[sflag:s14] =	ssyncadd.s32 $0xFFFFF000  }
0x187: {  	v36 =	vor.u32 v1, v32;
	v35 =	vld.idx.msk [tilespmem:v35+s3+$0x0], $0xffff  }
0x188: {  	v37 =	vadd.s32 v2, v34;
	_ =	sdelay $0x3  }
0x189: {  	[tilespmem:v36+s15+$0x0] =	vst.idx.msk $0xffff, v35  }
0x18a: {  	v61 =	vor.u32 v3, v32;
	v35 =	vld.idx.msk [tilespmem:v37+s3+$0x0], $0xffff  }
0x18b: {  	v62 =	vadd.s32 v4, v34;
	_ =	sdelay $0x3  }
0x18c: {  	[tilespmem:v61+s15+$0x0] =	vst.idx.msk $0xffff, v35  }
0x18d: {  	v63 =	vor.u32 v5, v32;
	v35 =	vld.idx.msk [tilespmem:v62+s3+$0x0], $0xffff  }
0x18e: {  	v40 =	vadd.s32 v6, v34;
	_ =	sdelay $0x3  }
0x18f: {  	[tilespmem:v63+s15+$0x0] =	vst.idx.msk $0xffff, v35  }
0x190: {  	v41 =	vor.u32 v7, v32;
	v35 =	vld.idx.msk [tilespmem:v40+s3+$0x0], $0xffff  }
0x191: {  	v42 =	vadd.s32 v8, v34;
	_ =	sdelay $0x3  }
0x192: {  	[tilespmem:v41+s15+$0x0] =	vst.idx.msk $0xffff, v35  }
0x193: {  	v43 =	vor.u32 v9, v32;
	v35 =	vld.idx.msk [tilespmem:v42+s3+$0x0], $0xffff  }
0x194: {  	v44 =	vadd.s32 v10, v34;
	_ =	sdelay $0x3  }
0x195: {  	[tilespmem:v43+s15+$0x0] =	vst.idx.msk $0xffff, v35  }
0x196: {  	v45 =	vor.u32 v11, v32;
	v35 =	vld.idx.msk [tilespmem:v44+s3+$0x0], $0xffff  }
0x197: {  	v46 =	vadd.s32 v12, v34;
	_ =	sdelay $0x3  }
0x198: {  	[tilespmem:v45+s15+$0x0] =	vst.idx.msk $0xffff, v35  }
0x199: {  	v47 =	vor.u32 v13, v32;
	v35 =	vld.idx.msk [tilespmem:v46+s3+$0x0], $0xffff  }
0x19a: {  	v48 =	vadd.s32 v15, v34;
	_ =	sdelay $0x3  }
0x19b: {  	[tilespmem:v47+s15+$0x0] =	vst.idx.msk $0xffff, v35  }
0x19c: {  	v49 =	vor.u32 v16, v32;
	v35 =	vld.idx.msk [tilespmem:v48+s3+$0x0], $0xffff  }
0x19d: {  	v50 =	vadd.s32 v17, v34;
	_ =	sdelay $0x3  }
0x19e: {  	[tilespmem:v49+s15+$0x0] =	vst.idx.msk $0xffff, v35  }
0x19f: {  	v51 =	vor.u32 v14, v32;
	v35 =	vld.idx.msk [tilespmem:v50+s3+$0x0], $0xffff  }
0x1a0: {  	v52 =	vadd.s32 v18, v34;
	_ =	sdelay $0x3  }
0x1a1: {  	[tilespmem:v51+s15+$0x0] =	vst.idx.msk $0xffff, v35  }
0x1a2: {  	v53 =	vor.u32 v19, v32;
	v35 =	vld.idx.msk [tilespmem:v52+s3+$0x0], $0xffff  }
0x1a3: {  	v54 =	vadd.s32 v20, v34;
	_ =	sdelay $0x3  }
0x1a4: {  	[tilespmem:v53+s15+$0x0] =	vst.idx.msk $0xffff, v35  }
0x1a5: {  	v55 =	vor.u32 v21, v32;
	v35 =	vld.idx.msk [tilespmem:v54+s3+$0x0], $0xffff  }
0x1a6: {  	v56 =	vadd.s32 v22, v34;
	_ =	sdelay $0x3  }
0x1a7: {  	[tilespmem:v55+s15+$0x0] =	vst.idx.msk $0xffff, v35  }
0x1a8: {  	v57 =	vor.u32 v23, v32;
	v35 =	vld.idx.msk [tilespmem:v56+s3+$0x0], $0xffff  }
0x1a9: {  	v58 =	vadd.s32 v24, v34;
	_ =	sdelay $0x3  }
0x1aa: {  	[tilespmem:v57+s15+$0x0] =	vst.idx.msk $0xffff, v35  }
0x1ab: {  	v59 =	vor.u32 v25, v32;
	v35 =	vld.idx.msk [tilespmem:v58+s3+$0x0], $0xffff  }
0x1ac: {  	v60 =	vadd.s32 v26, v34;
	_ =	sdelay $0x3  }
0x1ad: {  	[tilespmem:v59+s15+$0x0] =	vst.idx.msk $0xffff, v35  }
0x1ae: {  	v61 =	vor.u32 v27, v32;
	v35 =	vld.idx.msk [tilespmem:v60+s3+$0x0], $0xffff  }
0x1af: {  	v62 =	vadd.s32 v28, v34;
	_ =	sdelay $0x3  }
0x1b0: {  	[tilespmem:v61+s15+$0x0] =	vst.idx.msk $0xffff, v35  }
0x1b1: {  	v63 =	vor.u32 v29, v32;
	v36 =	vld.idx.msk [tilespmem:v62+s3+$0x0], $0xffff  }
0x1b2: {  	v34 =	vadd.s32 v30, v34;
	_ =	sdelay $0x2  }
0x1b3: {  	v33 =	vadd.s32 $0x10, v33  }
0x1b4: {  	s20 =	simm.s32 $0x1E;
	v35 =	vshll.u32 v33, $0x3;
	[tilespmem:v63+s15+$0x0] =	vst.idx.msk $0xffff, v36  }
.LBB2_8:
0x1b5: {  	p1 =	sne.s32 s20, $0x1;
	v36 =	vand.u32 $0x7F, v33;
	v35 =	vand.u32 $0xFFFFFC00, v35;
	v37 =	vld.idx.msk [tilespmem:v34+s3+$0x0], $0xffff  }
0x1b6: {  	v32 =	vor.u32 v31, v32;
	v34 =	vor.u32 v36, v35  }
0x1b7: {  	v35 =	vadd.s32 v0, v34;
	_ =	sdelay $0x3  }
0x1b8: {  	[tilespmem:v32+s15+$0x0] =	vst.idx.msk $0xffff, v37  }
0x1b9: {  	v32 =	vshll.u32 v33, $0x4;
	v35 =	vld.idx.msk [tilespmem:v35+s3+$0x0], $0xffff  }
0x1ba: {  	v36 =	vor.u32 v1, v32  }
0x1bb: {  	v37 =	vadd.s32 v2, v34;
	_ =	sdelay $0x3  }
0x1bc: {  	[tilespmem:v36+s15+$0x0] =	vst.idx.msk $0xffff, v35  }
0x1bd: {  	v35 =	vld.idx.msk [tilespmem:v37+s3+$0x0], $0xffff  }
0x1be: {  	v36 =	vor.u32 v3, v32  }
0x1bf: {  	v37 =	vadd.s32 v4, v34;
	_ =	sdelay $0x3  }
0x1c0: {  	[tilespmem:v36+s15+$0x0] =	vst.idx.msk $0xffff, v35  }
0x1c1: {  	v35 =	vld.idx.msk [tilespmem:v37+s3+$0x0], $0xffff  }
0x1c2: {  	v36 =	vor.u32 v5, v32  }
0x1c3: {  	v37 =	vadd.s32 v6, v34;
	_ =	sdelay $0x3  }
0x1c4: {  	[tilespmem:v36+s15+$0x0] =	vst.idx.msk $0xffff, v35  }
0x1c5: {  	v35 =	vld.idx.msk [tilespmem:v37+s3+$0x0], $0xffff  }
0x1c6: {  	v36 =	vor.u32 v7, v32  }
0x1c7: {  	v37 =	vadd.s32 v8, v34;
	_ =	sdelay $0x3  }
0x1c8: {  	[tilespmem:v36+s15+$0x0] =	vst.idx.msk $0xffff, v35  }
0x1c9: {  	v35 =	vld.idx.msk [tilespmem:v37+s3+$0x0], $0xffff  }
0x1ca: {  	v36 =	vor.u32 v9, v32  }
0x1cb: {  	v37 =	vadd.s32 v10, v34;
	_ =	sdelay $0x3  }
0x1cc: {  	[tilespmem:v36+s15+$0x0] =	vst.idx.msk $0xffff, v35  }
0x1cd: {  	v35 =	vld.idx.msk [tilespmem:v37+s3+$0x0], $0xffff  }
0x1ce: {  	v36 =	vor.u32 v11, v32  }
0x1cf: {  	v37 =	vadd.s32 v12, v34;
	_ =	sdelay $0x3  }
0x1d0: {  	[tilespmem:v36+s15+$0x0] =	vst.idx.msk $0xffff, v35  }
0x1d1: {  	v35 =	vld.idx.msk [tilespmem:v37+s3+$0x0], $0xffff  }
0x1d2: {  	v36 =	vor.u32 v13, v32  }
0x1d3: {  	v37 =	vadd.s32 v15, v34;
	_ =	sdelay $0x3  }
0x1d4: {  	[tilespmem:v36+s15+$0x0] =	vst.idx.msk $0xffff, v35  }
0x1d5: {  	v35 =	vld.idx.msk [tilespmem:v37+s3+$0x0], $0xffff  }
0x1d6: {  	v36 =	vor.u32 v16, v32  }
0x1d7: {  	v37 =	vadd.s32 v17, v34;
	_ =	sdelay $0x3  }
0x1d8: {  	[tilespmem:v36+s15+$0x0] =	vst.idx.msk $0xffff, v35  }
0x1d9: {  	v35 =	vld.idx.msk [tilespmem:v37+s3+$0x0], $0xffff  }
0x1da: {  	v36 =	vor.u32 v14, v32  }
0x1db: {  	v37 =	vadd.s32 v18, v34;
	_ =	sdelay $0x3  }
0x1dc: {  	[tilespmem:v36+s15+$0x0] =	vst.idx.msk $0xffff, v35  }
0x1dd: {  	v35 =	vld.idx.msk [tilespmem:v37+s3+$0x0], $0xffff  }
0x1de: {  	v36 =	vor.u32 v19, v32  }
0x1df: {  	v37 =	vadd.s32 v20, v34;
	_ =	sdelay $0x3  }
0x1e0: {  	[tilespmem:v36+s15+$0x0] =	vst.idx.msk $0xffff, v35  }
0x1e1: {  	v35 =	vld.idx.msk [tilespmem:v37+s3+$0x0], $0xffff  }
0x1e2: {  	v36 =	vor.u32 v21, v32  }
0x1e3: {  	v37 =	vadd.s32 v22, v34;
	_ =	sdelay $0x3  }
0x1e4: {  	[tilespmem:v36+s15+$0x0] =	vst.idx.msk $0xffff, v35  }
0x1e5: {  	v35 =	vld.idx.msk [tilespmem:v37+s3+$0x0], $0xffff  }
0x1e6: {  	v36 =	vor.u32 v23, v32  }
0x1e7: {  	v37 =	vadd.s32 v24, v34;
	_ =	sdelay $0x3  }
0x1e8: {  	[tilespmem:v36+s15+$0x0] =	vst.idx.msk $0xffff, v35  }
0x1e9: {  	v35 =	vld.idx.msk [tilespmem:v37+s3+$0x0], $0xffff  }
0x1ea: {  	v36 =	vor.u32 v25, v32  }
0x1eb: {  	v37 =	vadd.s32 v26, v34;
	_ =	sdelay $0x3  }
0x1ec: {  	[tilespmem:v36+s15+$0x0] =	vst.idx.msk $0xffff, v35  }
0x1ed: {  	v35 =	vld.idx.msk [tilespmem:v37+s3+$0x0], $0xffff  }
0x1ee: {  	v36 =	vor.u32 v27, v32  }
0x1ef: {  	v37 =	vadd.s32 v28, v34;
	_ =	sdelay $0x3  }
0x1f0: {  	[tilespmem:v36+s15+$0x0] =	vst.idx.msk $0xffff, v35  }
0x1f1: {  	v36 =	vld.idx.msk [tilespmem:v37+s3+$0x0], $0xffff  }
0x1f2: {  	v37 =	vor.u32 v29, v32  }
.Ltmp8:
0x1f3: {  	v34 =	vadd.s32 v30, v34;
	(pc) =	sbr.rel @p1 .LBB2_8-.Ltmp8, $3  }
0x1f4: {  	_ =	sdelay $0x1  }
0x1f5: {  	v33 =	vadd.s32 $0x10, v33  }
0x1f6: {  	s20 =	sadd.s32 $0xFFFFFFFF, s20;
	v35 =	vshll.u32 v33, $0x3;
	[tilespmem:v37+s15+$0x0] =	vst.idx.msk $0xffff, v36  }
.Ltmp9:
0x1f7: {  	_ = 	snop;
	(pc) =	sbr.rel .LBB2_9-.Ltmp9, $1  }
0x1f8: {  	_ =	sdelay $0x3  }
.LBB2_12:
0x1f9: {  	_ =	sfence.sel $0x180000  }
0x1fa: {  	[bflag:$0x0] =	sbarrier.arrive $0xFFFF  }
0x1fb: {  	p0 =	sne.s32 s4, $0x0;
	_ =	strace $0x90000047  }
0x1fc: {  	s0 =	sadd.s32 @!p0 $0x100000, s2;
	[bflag:$0x2] =	sbarrier.arrive $0xFFFF  }
0x1fd: {  	[sflag:s0] =	ssyncadd.tile.s32 @!p0 $0x1;
	_ =	shalt  }
.Lfunc_end2:
_tile_overlayer_lowered:
.L_overlay_start_2:
0x1fe: {  	(tag) =	ssettag $0x2  }
0x1ff: {  	s0 =	rddreg [dreg:$0x0];
	s2 =	stileid.u32  }
0x200: {  	s1 =	rddreg [dreg:$0x1];
	p0 =	sne.s32 s2, $0x0  }
0x201: {  	s3 =	rddreg [dreg:$0x2];
	[bflag:$0x3] =	sbarrier.arrive $0xFFFF;
	s2 =	simm.s32 @!p0 $0x1C02  }
0x202: {  	[timem:s3], [sflag:s2] =	dma.local @!p0 [hbm:s0], s1  }
0x203: {  	s0 =	simm.s32 @!p0 $0x2  }
0x204: {  	_ =	swait.ge @!p0 [sflag:s0], s1  }
0x205: {  	s1 =	ssub.s32 @!p0 $0x0, s1;
	[sflag:s0] =	ssyncset.done @!p0 $0x0  }
0x206: {  	[sflag:s0] =	ssyncadd.s32 @!p0 s1  }
0x207: {  	[bflag:$0x3] =	sbarrier.arrive $0xFFFF  }
0x208: {  	_ =	shalt  }

// kernel: kernel.7.cloned.1.call-start
scs
__scs_entry_jumppad:
0x0: {  	(pc) =	sbr.rel $0x88, $3  }
0x1: {  	(tag) =	ssettag $0x0;
	lr =	simm.s32 $0x1  }
0x2: {  	[smem:$0x3F9E] =	sst lr;
	_ =	strace $0xD0000000  }
0x3: {  	_ = 	snop  }
0x4: {  	_ = 	snop  }
0x5: {  	_ = 	snop  }
0x6: {  	_ = 	snop  }
0x7: {  	_ = 	snop  }
__scs_overlays_trampoline_lowered:
0x8: {  	[smem:$0x3FAD] =	sst s0  }
0x9: {  	[smem:$0x3FAE] =	sst s1  }
0xa: {  	[smem:$0x3FAF] =	sst s2  }
0xb: {  	[smem:$0x3FB0] =	sst s3  }
0xc: {  	[smem:$0x3FB1] =	sst s4  }
0xd: {  	[smem:$0x3FB2] =	sst s5  }
0xe: {  	[smem:$0x3FB3] =	sst s6  }
0xf: {  	[smem:$0x3FB4] =	sst s7  }
0x10: {  	[smem:$0x3FB5] =	sst s8  }
0x11: {  	[smem:$0x3FB6] =	sst s9;
	s0 =	simm.s32 @!p0 $0x0  }
0x12: {  	s1 =	sld [smem:$0x3F9C];
	s0 =	simm.s32 @p0 $0x1  }
0x13: {  	[smem:$0x3FB7] =	sst s0;
	s0 =	simm.s32 @!p1 $0x0  }
0x14: {  	s2 =	sld [smem:$0x3F9B];
	s0 =	simm.s32 @p1 $0x1  }
0x15: {  	[smem:$0x3FB8] =	sst s0;
	s0 =	simm.s32 @!p2 $0x0  }
0x16: {  	s3 =	sld [smem:$0x3FDB];
	s0 =	simm.s32 @p2 $0x1  }
0x17: {  	s4 =	simm.s32 $0x1BF5;
	[smem:$0x3FBA] =	sst s0  }
0x18: {  	s0 =	sld [smem:$0x3F9D];
	_ =	swait.ge [sflag:s4], $0x0  }
0x19: {  	s7 =	sld [smem:$0x3F9E]  }
0x1a: {  	s8 =	sadd.s32 $0xFFFFE003, lr  }
0x1b: {  	s9 =	sadd.s32 $0xFFFFFEF7, lr;
	s5 =	simm.s32 $0xFFFFFFFF;
	p2 =	slt.u32 s8, $0xFFFFF086  }
0x1c: {  	p1 =	slt.u32 s9, $0xF7A;
	s5 =	simm.s32 @!p2 $0x0  }
0x1d: {  	s5 =	simm.s32 @p1 $0x1;
	p0 =	seq.s32 s7, s2  }
0x1e: {  	s7 =	smul.u32 @!p0 $0xF7A, s2;
	p2 =	seq.s32 @!p0 s5, $0x0  }
0x1f: {  	s9 =	smul.u32 $0xF7A, s1;
	s8 =	simm.s32 @!p0 $0x1BF5;
	p2 =	por !p2, p0  }
0x20: {  	[sflag:s8] =	ssyncset.s32 @!p0 $0xFFFFF086;
	s6 =	sadd.s32 @!p0 s3, s7;
	s7 =	simm.s32 @!p0 $0x108  }
0x21: {  	s3 =	sadd.s32 s3, s9;
	s6 =	sadd.s32 @!p0 $0x88, s6;
	s7 =	simm.s32 @p2 $0x1082  }
0x22: {  	[simem:s7], [sflag:s8] =	dma.local @!p0 [hbm:s6], $0xF7A  }
0x23: {  	s9 =	sor.u32 $0xD0000000, s2;
	s6 =	simm.s32 $0x108;
	_ =	swait.ge @!p0 [sflag:s8], $0x0  }
0x24: {  	s3 =	sadd.s32 $0x88, s3;
	s6 =	simm.s32 @!p1 $0x1082;
	[sflag:s4] =	ssyncset.s32 $0xFFFFF086  }
0x25: {  	[simem:s6], [sflag:s4] =	dma.local [hbm:s3], $0xF7A  }
0x26: {  	[smem:$0x3F9E] =	sst s1;
	(tag) =	ssettag s2;
	_ =	strace s9  }
0x27: {  	s1 =	sld [smem:$0x3FAE]  }
0x28: {  	s2 =	sld [smem:$0x3FAF]  }
0x29: {  	s4 =	sld [smem:$0x3FB1]  }
0x2a: {  	p0 =	seq.s32 s5, $0x0;
	s5 =	sld [smem:$0x3FB2]  }
0x2b: {  	s6 =	sld [smem:$0x3FB3]  }
0x2c: {  	s7 =	sld [smem:$0x3FB4]  }
0x2d: {  	s3 =	simm.s32 $0x108;
	s8 =	sld [smem:$0x3FB5]  }
0x2e: {  	s3 =	simm.s32 @!p0 $0x1082;
	s9 =	sld [smem:$0x3FB6]  }
0x2f: {  	lr =	sadd.s32 s0, s3;
	s0 =	sld [smem:$0x3FAD]  }
0x30: {  	s3 =	sld [smem:$0x3FB0]  }
0x31: {  	[smem:$0x3FB9] =	sst s10  }
0x32: {  	s10 =	sld [smem:$0x3FB7];
	_ =	sdelay $0x3  }
0x33: {  	p0 =	seq.s32 s10, $0x1;
	s10 =	sld [smem:$0x3FB9];
	_ =	sdelay $0x3  }
0x34: {  	[smem:$0x3FB9] =	sst s10  }
0x35: {  	s10 =	sld [smem:$0x3FB8];
	_ =	sdelay $0x3  }
0x36: {  	p1 =	seq.s32 s10, $0x1;
	s10 =	sld [smem:$0x3FB9];
	_ =	sdelay $0x3  }
0x37: {  	[smem:$0x3FB9] =	sst s10  }
0x38: {  	s10 =	sld [smem:$0x3FBA]  }
0x39: {  	_ = 	snop;
	(pc) =	sbr.ind lr, $3  }
0x3a: {  	_ = 	snop  }
0x3b: {  	_ = 	snop  }
0x3c: {  	p2 =	seq.s32 s10, $0x1;
	s10 =	sld [smem:$0x3FB9]  }
0x3d: {  	_ =	shalt  }
0x3e: {  	_ =	shalt  }
0x3f: {  	_ =	shalt  }
0x40: {  	_ =	shalt  }
0x41: {  	_ =	shalt  }
0x42: {  	_ =	shalt  }
0x43: {  	_ =	shalt  }
0x44: {  	_ =	shalt  }
0x45: {  	_ =	shalt  }
0x46: {  	_ =	shalt  }
0x47: {  	_ =	shalt  }
0x48: {  	_ =	shalt  }
0x49: {  	_ =	shalt  }
0x4a: {  	_ =	shalt  }
0x4b: {  	_ =	shalt  }
0x4c: {  	_ =	shalt  }
0x4d: {  	_ =	shalt  }
0x4e: {  	_ =	shalt  }
0x4f: {  	_ =	shalt  }
0x50: {  	_ =	shalt  }
0x51: {  	_ =	shalt  }
0x52: {  	_ =	shalt  }
0x53: {  	_ =	shalt  }
0x54: {  	_ =	shalt  }
0x55: {  	_ =	shalt  }
0x56: {  	_ =	shalt  }
0x57: {  	_ =	shalt  }
0x58: {  	_ =	shalt  }
0x59: {  	_ =	shalt  }
0x5a: {  	_ =	shalt  }
0x5b: {  	_ =	shalt  }
0x5c: {  	_ =	shalt  }
0x5d: {  	_ =	shalt  }
0x5e: {  	_ =	shalt  }
0x5f: {  	_ =	shalt  }
0x60: {  	_ =	shalt  }
0x61: {  	_ =	shalt  }
0x62: {  	_ =	shalt  }
0x63: {  	_ =	shalt  }
0x64: {  	_ =	shalt  }
0x65: {  	_ =	shalt  }
0x66: {  	_ =	shalt  }
0x67: {  	_ =	shalt  }
0x68: {  	_ =	shalt  }
0x69: {  	_ =	shalt  }
0x6a: {  	_ =	shalt  }
0x6b: {  	_ =	shalt  }
0x6c: {  	_ =	shalt  }
0x6d: {  	_ =	shalt  }
0x6e: {  	_ =	shalt  }
0x6f: {  	_ =	shalt  }
0x70: {  	_ =	shalt  }
0x71: {  	_ =	shalt  }
0x72: {  	_ =	shalt  }
0x73: {  	_ =	shalt  }
0x74: {  	_ =	shalt  }
0x75: {  	_ =	shalt  }
0x76: {  	_ =	shalt  }
0x77: {  	_ =	shalt  }
0x78: {  	_ =	shalt  }
0x79: {  	_ =	shalt  }
0x7a: {  	_ =	shalt  }
0x7b: {  	_ =	shalt  }
0x7c: {  	_ =	shalt  }
0x7d: {  	_ =	shalt  }
0x7e: {  	_ =	shalt  }
0x7f: {  	_ =	shalt  }
0x80: {  	_ =	shalt  }
0x81: {  	_ =	shalt  }
0x82: {  	_ =	shalt  }
0x83: {  	_ =	shalt  }
0x84: {  	_ =	shalt  }
0x85: {  	_ =	shalt  }
0x86: {  	_ =	shalt  }
0x87: {  	_ =	shalt  }
.Lfunc_end0:
.L_simem_size_0:
called_computation.1_lowered:
.L_overlay_start_0:
0x88: {  	s2 =	sld [smem:$0x3FD9]  }
0x89: {  	s3 =	sld [smem:$0x3FFE];
	_ =	sdelay $0x1  }
0x8a: {  	s1 =	srdreg.scid  }
0x8b: {  	s0 =	sand.u32 $0x1, s1  }
0x8c: {  	s17 =	sshll.u32 s0, $0xA;
	s2 =	sadd.s32 s3, s2  }
0x8d: {  	s2 =	sadd.s32 s2, s17  }
0x8e: {  	[smem:$0x3FC5] =	sst s2  }
0x8f: {  	_ = 	snop  }
0x90: {  	s2 =	sld [smem:$0x3FD0];
	(tm) =	ssettm $0x1  }
0x91: {  	s18 =	sld [smem:$0x3FFB];
	_ =	sdelay $0x3  }
0x92: {  	_ =	strace s18  }
0x93: {  	s3 =	sld [smem:$0x3FFC];
	_ =	sdelay $0x3  }
0x94: {  	_ =	strace s3  }
0x95: {  	s3 =	sld [smem:$0x3FFD];
	_ =	sdelay $0x3  }
0x96: {  	_ =	strace s3  }
0x97: {  	_ =	strace $0x8FFFFFFF  }
0x98: {  	s19 =	sld [smem:$0x3FDB];
	_ =	sdelay $0x1  }
0x99: {  	s4 =	simm.s32 $_scs_section_size  }
0x9a: {  	s5 =	simm.s32 $_size__tile_overlayer_lowered;
	s6 =	simm.s32 $_tile_overlayer_lowered  }
0x9b: {  	s22 =	simm.s32 $0x1BFF;
	s21 =	sshll.u32 s6, $0x1;
	s3 =	sadd.s32 s4, s19  }
0x9c: {  	s7 =	simm.s32 $0x0;
	s20 =	sshll.u32 s5, $0x1;
	s5 =	sadd.s32 s21, s3  }
0x9d: {  	[timem:s7], [sflag:s22] =	dma.local [hbm:s5], s20  }
0x9e: {  	_ =	swait.ge [sflag:s22], s20  }
0x9f: {  	s4 =	ssub.s32 $0x0, s20;
	[sflag:s22] =	ssyncset.done $0x0  }
0xa0: {  	[sflag:s22] =	ssyncadd.s32 s4;
	_ =	sdelay $0x1  }
0xa1: {  	s23 =	simm.s32 $0x1B8B  }
0xa2: {  	_ =	swait.ge [sflag:s23], $0x1  }
0xa3: {  	[sflag:s23] =	ssyncset.done $0x0  }
0xa4: {  	s25 =	simm.s32 $0x1B8E;
	s24 =	sld [smem:$0x3FFE];
	[sflag:s23] =	ssyncadd.s32 $0xFFFFFFFF  }
0xa5: {  	s26 =	simm.s32 $execute0_lowered;
	[smem:$0x3FD2] =	sst s25  }
0xa6: {  	s5 =	sshll.u32 s26, $0x1;
	_ =	strace $0x80000049;
	[dreg:$0x1] =	wrdreg $0xFFFFFFFF  }
0xa7: {  	s28 =	simm.s32 $_size_execute0_lowered;
	s3 =	sadd.s32 s3, s5;
	[dreg:$0x0] =	wrdreg $0x0  }
0xa8: {  	s5 =	sshll.u32 s28, $0x1;
	[dreg:$0x2] =	wrdreg s3  }
0xa9: {  	[dreg:$0x3] =	wrdreg s5  }
0xaa: {  	[dreg:$0x4] =	wrdreg $0xC0  }
0xab: {  	_ =	task [dreg:s7], $0x5FFFF  }
0xac: {  	[dreg:$0x1] =	wrdreg $0xFFFFFFFF  }
0xad: {  	[dreg:$0x0] =	wrdreg $0x60  }
0xae: {  	[dreg:$0x2] =	wrdreg s24  }
0xaf: {  	[dreg:$0x3] =	wrdreg s2  }
0xb0: {  	[dreg:$0x4] =	wrdreg $0x9  }
0xb1: {  	_ =	task.clear_ibuf [dreg:s7], $0x5FFFF;
	_ =	strace $0x90000049  }
0xb2: {  	s29 =	simm.s32 $0x9;
	_ =	strace $0x8000004B  }
0xb3: {  	_ =	swait.ge [sflag:s29], $0x1  }
0xb4: {  	[sflag:s29] =	ssyncadd.s32 $0xFFFFFFFF  }
0xb5: {  	_ =	strace $0x9000004B  }
0xb6: {  	_ =	sfence  }
0xb7: {  	s30 =	sld [smem:$0x0];
	_ =	sdelay $0x2  }
0xb8: {  	s31 =	sshll.u32 s1, $0xD;
	s1 =	sshrl.u32 s1, $0x2  }
0xb9: {  	s3 =	sand.u32 $0x4000, s31;
	s1 =	sadd.s32 s1, s30  }
0xba: {  	s0 =	sor.u32 s3, s0;
	s1 =	sshll.u32 s1, $0x11  }
0xbb: {  	s0 =	sor.u32 s1, s0  }
0xbc: {  	s0 =	sadd.s32 $0x8F2B, s0  }
0xbd: {  	[sflag:s0] =	ssyncadd.remote.s32 $0x1  }
0xbe: {  	_ =	sfence.sel $0xFFFF  }
0xbf: {  	[dreg:$0x0] =	wrdreg $0xFFFFFFFF;
	(pc) =	sbr.abs _section_cstart, $3  }
0xc0: {  	[dreg:$0x1] =	wrdreg $0xFFFFFFFF  }
0xc1: {  	_ =	task.clear_ibuf [dreg:s7], $0x2FFFF;
	_ =	strace $0x9FFFFFFF  }
0xc2: {  	(tm) =	ssettm $0x7FFFFFFF  }
0xc3: {  	_ =	shalt  }
tec
execute0_lowered:
.L_overlay_start_1:
0x0: {  	(tag) =	ssettag $0x1  }
0x1: {  	s1 =	srdreg.scid;
	s4 =	rddreg [dreg:$0x0]  }
0x2: {  	s0 =	stileid.u32;
	s6 =	rddreg [dreg:$0x1];
	s2 =	simm.s32 $0x0  }
0x3: {  	s10 =	simm.s32 $0x80;
	s11 =	simm.s32 $0x2800;
	s12 =	simm.s32 $0x3000  }
0x4: {  	s13 =	simm.s32 $0x3800;
	s14 =	simm.s32 $0x4000;
	s15 =	simm.s32 $0x4800  }
0x5: {  	s16 =	simm.s32 $0x5000;
	s17 =	simm.s32 $0x5800;
	s18 =	simm.s32 $0x6000  }
0x6: {  	s19 =	simm.s32 $0x6800;
	s20 =	simm.s32 $0x7000;
	s21 =	simm.s32 $0x1  }
0x7: {  	s22 =	simm.s32 $0x7800;
	s3 =	sand.u32 $0x1, s1;
	s1 =	rddreg [dreg:$0x2]  }
0x8: {  	s23 =	simm.s32 $0x0;
	s31 =	sshll.u32 s0, $0x1;
	[smem:$0x7FF] =	sst s2  }
0x9: {  	s7 =	sor.u32 s3, s31;
	_ =	strace $0x8000004A;
	s8 =	ssub.s32 $0x2, s3  }
0xa: {  	s5 =	smul.u32 $0x500, s7;
	s9 =	sshrl.u32 s8, $0x1;
	s7 =	sshll.u32 s7, $0xA  }
0xb: {  	s3 =	sadd.s32 $0xA00, s4;
	s8 =	ssub.s32 s8, s9;
	s6 =	sadd.s32 s6, s7  }
0xc: {  	s9 =	simm.s32 $0x2;
	s5 =	sadd.s32 s5, s4;
	s4 =	sadd.s32 $0x1F3200, s4  }
0xd: {  	s7 =	smax.u32 s8, $0x1;
	s8 =	simm.s32 $0x7C00;
	s5 =	sadd.s32 $0x1E9200, s5  }
.LBB2_1:
0xe: {  	[tilespmem:s8], [sflag:$0x2] =	stream.linear.gather [hbm4b:s4+s2], $0x10, $0x38;
	[tilespmem:$0x7C10] =	vst v63  }
0xf: {  	_ =	swait.ge [sflag:s9], $0x10  }
0x10: {  	[sflag:s9] =	ssyncset.done $0x0  }
0x11: {  	[sflag:s9] =	ssyncadd.s32 $0xFFFFFFF0  }
0x12: {  	v0 =	vld [tilespmem:$0x7C00];
	_ =	sdelay $0x2  }
0x13: {  	[tilespmem:s2], [sflag:$0x2] =	stream.linear.gather [hbm4b:s5+s2], $0x2800, $0x38;
	[tilespmem:$0x7C10] =	vst v63  }
0x14: {  	_ =	swait.ge [sflag:s9], $0x2800  }
0x15: {  	(erf) = vrcp.f32 v0;
	_ =	sdelay $0x7  }
0x16: {  	[sflag:s9] =	ssyncset.done $0x0  }
0x17: {  	s24 =	simm.s32 $0x0;
	[sflag:s9] =	ssyncadd.s32 $0xFFFFD800;
	v1 =	vpop (erf)  }
.LBB2_2:
0x18: {  	s25 =	smul.u32 $0x1400, s24;
	_ =	sdelay $0x1  }
0x19: {  	s25 =	sshra.s32 s25, $0x2  }
0x1a: {  	[tilespmem:s11], [sflag:$0x1] =	stream.indirect.gather [hbm4b:s3+s10], $0x10, s25, s10, $0xb8;
	[tilespmem:$0x7C10] =	vst v63  }
0x1b: {  	s26 =	sor.u32 $0x80, s25  }
0x1c: {  	[tilespmem:s12], [sflag:$0x1] =	stream.indirect.gather [hbm4b:s3+s10], $0x10, s26, s10, $0xb8;
	[tilespmem:$0x7C10] =	vst v63  }
0x1d: {  	s31 =	sadd.s32 $0x100, s25  }
0x1e: {  	[tilespmem:s13], [sflag:$0x1] =	stream.indirect.gather [hbm4b:s3+s10], $0x10, s31, s10, $0xb8;
	[tilespmem:$0x7C10] =	vst v63  }
0x1f: {  	s29 =	sadd.s32 $0x180, s25  }
0x20: {  	[tilespmem:s14], [sflag:$0x1] =	stream.indirect.gather [hbm4b:s3+s10], $0x10, s29, s10, $0xb8;
	[tilespmem:$0x7C10] =	vst v63  }
0x21: {  	s30 =	sadd.s32 $0x200, s25  }
0x22: {  	[tilespmem:s15], [sflag:$0x1] =	stream.indirect.gather [hbm4b:s3+s10], $0x10, s30, s10, $0xb8;
	[tilespmem:$0x7C10] =	vst v63  }
0x23: {  	s31 =	sadd.s32 $0x280, s25  }
0x24: {  	[tilespmem:s16], [sflag:$0x1] =	stream.indirect.gather [hbm4b:s3+s10], $0x10, s31, s10, $0xb8;
	[tilespmem:$0x7C10] =	vst v63  }
0x25: {  	s29 =	sadd.s32 $0x300, s25  }
0x26: {  	[tilespmem:s17], [sflag:$0x1] =	stream.indirect.gather [hbm4b:s3+s10], $0x10, s29, s10, $0xb8;
	[tilespmem:$0x7C10] =	vst v63  }
0x27: {  	s30 =	sadd.s32 $0x380, s25  }
0x28: {  	[tilespmem:s18], [sflag:$0x1] =	stream.indirect.gather [hbm4b:s3+s10], $0x10, s30, s10, $0xb8;
	[tilespmem:$0x7C10] =	vst v63  }
0x29: {  	s31 =	sadd.s32 $0x400, s25  }
0x2a: {  	[tilespmem:s19], [sflag:$0x1] =	stream.indirect.gather [hbm4b:s3+s10], $0x10, s31, s10, $0xb8;
	[tilespmem:$0x7C10] =	vst v63  }
0x2b: {  	s25 =	sadd.s32 $0x480, s25  }
0x2c: {  	[tilespmem:s20], [sflag:$0x1] =	stream.indirect.gather [hbm4b:s3+s10], $0x10, s25, s10, $0xb8;
	[tilespmem:$0x7C10] =	vst v63  }
0x2d: {  	_ =	swait.ge [sflag:s21], $0x800  }
0x2e: {  	[sflag:s21] =	ssyncset.done $0x0  }
0x2f: {  	[sflag:s21] =	ssyncadd.s32 $0xFFFFF800  }
0x30: {  	_ =	swait.ge [sflag:s21], $0x800  }
0x31: {  	[sflag:s21] =	ssyncset.done $0x0  }
0x32: {  	[sflag:s21] =	ssyncadd.s32 $0xFFFFF800  }
0x33: {  	_ =	swait.ge [sflag:s21], $0x800  }
0x34: {  	[sflag:s21] =	ssyncset.done $0x0  }
0x35: {  	[sflag:s21] =	ssyncadd.s32 $0xFFFFF800  }
0x36: {  	_ =	swait.ge [sflag:s21], $0x800  }
0x37: {  	[sflag:s21] =	ssyncset.done $0x0  }
0x38: {  	[sflag:s21] =	ssyncadd.s32 $0xFFFFF800  }
0x39: {  	_ =	swait.ge [sflag:s21], $0x800  }
0x3a: {  	[sflag:s21] =	ssyncset.done $0x0  }
0x3b: {  	[sflag:s21] =	ssyncadd.s32 $0xFFFFF800  }
0x3c: {  	_ =	swait.ge [sflag:s21], $0x800  }
0x3d: {  	[sflag:s21] =	ssyncset.done $0x0  }
0x3e: {  	[sflag:s21] =	ssyncadd.s32 $0xFFFFF800  }
0x3f: {  	_ =	swait.ge [sflag:s21], $0x800  }
0x40: {  	[sflag:s21] =	ssyncset.done $0x0  }
0x41: {  	[sflag:s21] =	ssyncadd.s32 $0xFFFFF800  }
0x42: {  	_ =	swait.ge [sflag:s21], $0x800  }
0x43: {  	[sflag:s21] =	ssyncset.done $0x0  }
0x44: {  	[sflag:s21] =	ssyncadd.s32 $0xFFFFF800  }
0x45: {  	_ =	swait.ge [sflag:s21], $0x800  }
0x46: {  	[sflag:s21] =	ssyncset.done $0x0  }
0x47: {  	[sflag:s21] =	ssyncadd.s32 $0xFFFFF800  }
0x48: {  	_ =	swait.ge [sflag:s21], $0x800  }
0x49: {  	[sflag:s21] =	ssyncset.done $0x0  }
0x4a: {  	s26 =	simm.s32 $0x28A0;
	[sflag:s21] =	ssyncadd.s32 $0xFFFFF800  }
0x4b: {  	v2 =	vld [tilespmem:s26+$0xFFFFFF70]  }
0x4c: {  	s28 =	simm.s32 $0x40;
	s25 =	simm.s32 $0x0;
	v3 =	vld [tilespmem:s26+$0xFFFFFF60]  }
.LBB2_3:
0x4d: {  	p0 =	sne.s32 s28, $0xFC0  }
0x4e: {  	v4 =	vld [tilespmem:s26+$0xFFFFFF80];
	_ =	sdelay $0x1  }
0x4f: {  	v5 =	vld [tilespmem:s26+$0xFFFFFF90]  }
0x50: {  	v2 =	vadd.f32 v2, v3  }
0x51: {  	v3 =	vld [tilespmem:s26+$0xFFFFFFA0]  }
0x52: {  	v2 =	vadd.f32 v4, v2  }
0x53: {  	v4 =	vld [tilespmem:s26+$0xFFFFFFB0]  }
0x54: {  	v2 =	vadd.f32 v5, v2  }
0x55: {  	v5 =	vld [tilespmem:s26+$0xFFFFFFC0]  }
0x56: {  	v2 =	vadd.f32 v3, v2  }
0x57: {  	v3 =	vld [tilespmem:s26+$0xFFFFFFD0]  }
0x58: {  	v2 =	vadd.f32 v4, v2  }
0x59: {  	v4 =	vld [tilespmem:s26+$0xFFFFFFE0]  }
0x5a: {  	v2 =	vadd.f32 v5, v2  }
0x5b: {  	v5 =	vld [tilespmem:s26+$0xFFFFFFF0]  }
0x5c: {  	v2 =	vadd.f32 v3, v2  }
0x5d: {  	v3 =	vld [tilespmem:s26+$0x0]  }
0x5e: {  	v2 =	vadd.f32 v4, v2  }
0x5f: {  	v4 =	vld [tilespmem:s26+$0x10]  }
0x60: {  	v2 =	vadd.f32 v5, v2  }
0x61: {  	v5 =	vld [tilespmem:s26+$0x20]  }
0x62: {  	v2 =	vadd.f32 v3, v2  }
0x63: {  	v3 =	vld [tilespmem:s26+$0x30]  }
0x64: {  	v2 =	vadd.f32 v4, v2  }
0x65: {  	v4 =	vld [tilespmem:s26+$0x40]  }
0x66: {  	v2 =	vadd.f32 v5, v2  }
0x67: {  	v5 =	vld [tilespmem:s26+$0x50]  }
0x68: {  	v2 =	vadd.f32 v3, v2  }
0x69: {  	v3 =	vld [tilespmem:s26+$0x60]  }
0x6a: {  	v2 =	vadd.f32 v4, v2  }
0x6b: {  	v4 =	vld [tilespmem:s26+$0x70]  }
0x6c: {  	v2 =	vadd.f32 v5, v2  }
0x6d: {  	v5 =	vld [tilespmem:s26+$0x80]  }
0x6e: {  	v2 =	vadd.f32 v3, v2  }
0x6f: {  	v3 =	vld [tilespmem:s26+$0x90]  }
0x70: {  	v2 =	vadd.f32 v4, v2;
	_ =	sdelay $0x1  }
0x71: {  	v2 =	vadd.f32 v5, v2;
	_ =	sdelay $0x1  }
0x72: {  	v2 =	vadd.f32 v3, v2;
	_ =	sdelay $0x1  }
0x73: {  	v2 =	vmul.f32 v2, v1;
	_ =	sdelay $0x1  }
0x74: {  	v2 =	vmax.f32 v2, $-8.000000000e+00  }
0x75: {  	v2 =	vmin.f32 v2, $7.000000000e+00  }
0x76: {  	v2 =	vadd.f32 $1.258291200e+07, v2;
	_ =	sdelay $0x1  }
0x77: {  	v2 =	vadd.f32 $-1.258291200e+07, v2;
	_ =	sdelay $0x1  }
.Ltmp0:
0x78: {  	v2 =	vmul.f32 v2, v0;
	(pc) =	sbr.rel @p0 .LBB2_3-.Ltmp0, $4  }
0x79: {  	s29 =	sshra.s32 s25, $0x2;
	s25 =	smov.u32 s28  }
0x7a: {  	s26 =	sadd.s32 $0x140, s26;
	[tilespmem:s29+$0x7800] =	vst v2  }
0x7b: {  	v2 =	vld [tilespmem:s26+$0xFFFFFF70]  }
0x7c: {  	s28 =	sadd.s32 $0x40, s28;
	v3 =	vld [tilespmem:s26+$0xFFFFFF60]  }
0x7d: {  	_ = 	snop  }
0x7e: {  	v4 =	vld [tilespmem:s26+$0xFFFFFF80];
	_ =	sdelay $0x1  }
0x7f: {  	v5 =	vld [tilespmem:s26+$0xFFFFFF90]  }
0x80: {  	v2 =	vadd.f32 v2, v3  }
0x81: {  	v3 =	vld [tilespmem:s26+$0xFFFFFFA0]  }
0x82: {  	v2 =	vadd.f32 v4, v2  }
0x83: {  	v54 =	vld [tilespmem:s26+$0xFFFFFFB0]  }
0x84: {  	v2 =	vadd.f32 v5, v2  }
0x85: {  	v55 =	vld [tilespmem:s26+$0xFFFFFFC0]  }
0x86: {  	v2 =	vadd.f32 v3, v2  }
0x87: {  	v3 =	vld [tilespmem:s26+$0xFFFFFFD0]  }
0x88: {  	v2 =	vadd.f32 v54, v2  }
0x89: {  	v56 =	vld [tilespmem:s26+$0xFFFFFFE0]  }
0x8a: {  	v2 =	vadd.f32 v55, v2  }
0x8b: {  	v57 =	vld [tilespmem:s26+$0xFFFFFFF0]  }
0x8c: {  	v2 =	vadd.f32 v3, v2  }
0x8d: {  	v3 =	vld [tilespmem:s26+$0x0]  }
0x8e: {  	v2 =	vadd.f32 v56, v2  }
0x8f: {  	v58 =	vld [tilespmem:s26+$0x10]  }
0x90: {  	v2 =	vadd.f32 v57, v2  }
0x91: {  	v59 =	vld [tilespmem:s26+$0x20]  }
0x92: {  	v2 =	vadd.f32 v3, v2  }
0x93: {  	v3 =	vld [tilespmem:s26+$0x30]  }
0x94: {  	v2 =	vadd.f32 v58, v2  }
0x95: {  	v60 =	vld [tilespmem:s26+$0x40]  }
0x96: {  	v2 =	vadd.f32 v59, v2  }
0x97: {  	v61 =	vld [tilespmem:s26+$0x50]  }
0x98: {  	v2 =	vadd.f32 v3, v2  }
0x99: {  	v3 =	vld [tilespmem:s26+$0x60]  }
0x9a: {  	v2 =	vadd.f32 v60, v2  }
0x9b: {  	v62 =	vld [tilespmem:s26+$0x70]  }
0x9c: {  	v2 =	vadd.f32 v61, v2  }
0x9d: {  	v63 =	vld [tilespmem:s26+$0x80]  }
0x9e: {  	v2 =	vadd.f32 v3, v2  }
0x9f: {  	v3 =	vld [tilespmem:s26+$0x90]  }
0xa0: {  	v2 =	vadd.f32 v62, v2;
	_ =	sdelay $0x1  }
0xa1: {  	v2 =	vadd.f32 v63, v2;
	_ =	sdelay $0x1  }
0xa2: {  	v2 =	vadd.f32 v3, v2;
	_ =	sdelay $0x1  }
0xa3: {  	v2 =	vmul.f32 v2, v1;
	_ =	sdelay $0x1  }
0xa4: {  	v2 =	vmax.f32 v2, $-8.000000000e+00  }
0xa5: {  	v2 =	vmin.f32 v2, $7.000000000e+00  }
0xa6: {  	v2 =	vadd.f32 $1.258291200e+07, v2;
	_ =	sdelay $0x1  }
0xa7: {  	v2 =	vadd.f32 $-1.258291200e+07, v2;
	_ =	sdelay $0x1  }
0xa8: {  	s30 =	sshll.u32 s24, $0x7;
	s24 =	sadd.s32 $0x1, s24;
	v2 =	vmul.f32 v2, v0  }
0xa9: {  	s25 =	sshra.s32 s25, $0x2;
	p0 =	sne.s32 s24, $0x8  }
.Ltmp1:
0xaa: {  	s31 =	sadd.s32 s30, s6;
	[tilespmem:s25+$0x7800] =	vst v2;
	(pc) =	sbr.rel @p0 .LBB2_2-.Ltmp1, $4  }
0xab: {  	[hbm4b:s31+s2] =	stream.linear.scatter [tilespmem:s22], [sflag:$0x2], $0x400, $0x38;
	[tilespmem:$0x7C10] =	vst v63  }
0xac: {  	_ =	swait.ge [sflag:s9], $0x400  }
0xad: {  	[sflag:s9] =	ssyncset.done $0x0  }
0xae: {  	[sflag:s9] =	ssyncadd.s32 $0xFFFFFC00  }
0xaf: {  	s23 =	sadd.s32 $0x1, s23  }
0xb0: {  	p0 =	sne.s32 s23, s7  }
.Ltmp2:
0xb1: {  	_ = 	snop;
	(pc) =	sbr.rel @p0 .LBB2_1-.Ltmp2, $1  }
0xb2: {  	_ =	sdelay $0x3  }
0xb3: {  	_ =	sfence.sel $0x180000  }
0xb4: {  	[bflag:$0x0] =	sbarrier.arrive $0xFFFF  }
0xb5: {  	p0 =	sne.s32 s0, $0x0;
	_ =	strace $0x9000004A  }
0xb6: {  	s0 =	sadd.s32 @!p0 $0x100000, s1;
	[bflag:$0x2] =	sbarrier.arrive $0xFFFF  }
0xb7: {  	[sflag:s0] =	ssyncadd.tile.s32 @!p0 $0x1;
	_ =	shalt  }
.Lfunc_end2:
_tile_overlayer_lowered:
.L_overlay_start_2:
0xb8: {  	(tag) =	ssettag $0x2  }
0xb9: {  	s0 =	rddreg [dreg:$0x0];
	s2 =	stileid.u32  }
0xba: {  	s1 =	rddreg [dreg:$0x1];
	p0 =	sne.s32 s2, $0x0  }
0xbb: {  	s3 =	rddreg [dreg:$0x2];
	[bflag:$0x3] =	sbarrier.arrive $0xFFFF;
	s2 =	simm.s32 @!p0 $0x1C02  }
0xbc: {  	[timem:s3], [sflag:s2] =	dma.local @!p0 [hbm:s0], s1  }
0xbd: {  	s0 =	simm.s32 @!p0 $0x2  }
0xbe: {  	_ =	swait.ge @!p0 [sflag:s0], s1  }
0xbf: {  	s1 =	ssub.s32 @!p0 $0x0, s1;
	[sflag:s0] =	ssyncset.done @!p0 $0x0  }
0xc0: {  	[sflag:s0] =	ssyncadd.s32 @!p0 s1  }
0xc1: {  	[bflag:$0x3] =	sbarrier.arrive $0xFFFF  }
0xc2: {  	_ =	shalt  }

</sc_bundles>
